<compile_context>
chip_gen: v7x
topology: tpu7x:2x2x1
jax: 0.10.2.dev20260603
libtpu: 0.0.44.dev20260713+nightly
codegen_flags: <defaults>
</compile_context>

<pallas_src>
import functools

import jax
import jax.numpy as jnp
from jax import lax
from jax.experimental import pallas as pl
from jax.experimental.pallas import tpu as pltpu
from jax.experimental.pallas import tpu_sc as plsc

VOCAB = 1000000
DIM = 64
B_TOTAL = 4096 * 200
NUM_WORKERS = 32
B_PER_W = B_TOTAL // NUM_WORKERS
CHUNK = 128
NCHUNKS = B_PER_W // CHUNK
NBUF = 8
NROUNDS = NCHUNKS // NBUF

_mesh = plsc.VectorSubcoreMesh(core_axis_name="c", subcore_axis_name="s")


@functools.partial(
    pl.kernel,
    out_type=jax.ShapeDtypeStruct((B_TOTAL, DIM), jnp.float32),
    mesh=_mesh,
    scratch_types=[
        pltpu.VMEM((B_PER_W,), jnp.int32),
        pltpu.VMEM((NBUF, CHUNK, DIM), jnp.float32),
        pltpu.SemaphoreType.DMA,
        pltpu.SemaphoreType.DMA((NBUF,)),
        pltpu.SemaphoreType.DMA((NBUF,)),
    ],
    compiler_params=pltpu.CompilerParams(use_tc_tiling_on_sc=False),
)
def _embed_gather(x_hbm, table_hbm, out_hbm, idx_v, rows_v, isem, gsem, wsem):
    wid = lax.axis_index("s") * 2 + lax.axis_index("c")
    base = pl.multiple_of(wid * B_PER_W, CHUNK)

    def idx_slice(c):
        return idx_v.at[pl.ds(pl.multiple_of(c * CHUNK, CHUNK), CHUNK)]

    def fire_gather(b, c):
        pltpu.async_copy(table_hbm.at[idx_slice(c)], rows_v.at[b], gsem.at[b])

    def wait_gather(b, c):
        pltpu.make_async_copy(
            table_hbm.at[idx_slice(c)], rows_v.at[b], gsem.at[b]
        ).wait()

    def out_slice(c):
        return out_hbm.at[pl.ds(pl.multiple_of(base + c * CHUNK, CHUNK), CHUNK)]

    def fire_writeback(b, c):
        pltpu.async_copy(rows_v.at[b], out_slice(c), wsem.at[b])

    def wait_writeback(b, c):
        pltpu.make_async_copy(rows_v.at[b], out_slice(c), wsem.at[b]).wait()

    pltpu.async_copy(x_hbm.at[pl.ds(base, B_PER_W)], idx_v, isem).wait()

    for b in range(NBUF):
        fire_gather(b, b)

    def round_body(r, carry):
        c0 = r * NBUF
        for b in range(NBUF):
            wait_gather(b, c0 + b)
            fire_writeback(b, c0 + b)
        for b in range(NBUF):
            wait_writeback(b, c0 + b)
            fire_gather(b, c0 + b + NBUF)
        return carry

    lax.fori_loop(0, NROUNDS - 1, round_body, 0, unroll=False)

    c0 = (NROUNDS - 1) * NBUF
    for b in range(NBUF):
        wait_gather(b, c0 + b)
        fire_writeback(b, c0 + b)
    for b in range(NBUF):
        wait_writeback(b, c0 + b)


def kernel(x, table):
    flat_x = x.reshape(-1).astype(jnp.int32)
    out = _embed_gather(flat_x, table)
    return out.reshape(x.shape[0], x.shape[1], DIM)

# --- scband reference (transcript-rebuilt; emitter-appended) ---
"""Pipeline reference for scband-word-embedding-68942815035805 (READ-ONLY COPY).

The authoritative reference and input builder live on the scoring server;
editing this copy changes nothing except your own understanding.
"""

import jax, jax.numpy as jnp
import numpy as np

VOCAB = 1000000
DIM = 64
PAD = 0

def setup_inputs(seed: int = 0) -> dict:
    key = jax.random.key(seed)
    k1, k2 = jax.random.split(key)
    x = jax.random.randint(k1, (4096, 200), 0, VOCAB, dtype=jnp.int64 if jax.config.jax_enable_x64 else jnp.int32)
    table = jax.random.normal(k2, (VOCAB, DIM), dtype=jnp.float32)
    # padding_idx row initialized to zeros, matching nn.Embedding(padding_idx=0)
    table = table.at[PAD].set(0.0)
    return {"x": x, "table": table}

def reference(x, table):
    # nn.Embedding forward: simple row gather
    return jnp.take(table, x, axis=0)

if __name__ == "__main__":
    import jax
    _d = setup_inputs()
    print(jax.jit(kernel)(*tuple(_d.values())))

</pallas_src>

<mosaic_0001>
#map = affine_map<(d0, d1) -> (0)>
#map1 = affine_map<(d0, d1) -> (0, 0)>
module attributes {stable_mosaic.version = 14 : i64} {
  func.func @_embed_gather(%arg0: i32, %arg1: i32, %arg2: memref<819200xi32, #tpu.memory_space<hbm>>, %arg3: memref<1000000x64xf32, #tpu.memory_space<hbm>>, %arg4: memref<819200x64xf32, #tpu.memory_space<hbm>>, %arg5: memref<25600xi32, #tpu.memory_space<vmem>>, %arg6: memref<8x128x64xf32, #tpu.memory_space<vmem>>, %arg7: memref<!tpu.dma_semaphore, #tpu.memory_space<semaphore_mem>>, %arg8: memref<8x!tpu.dma_semaphore, #tpu.memory_space<semaphore_mem>>, %arg9: memref<8x!tpu.dma_semaphore, #tpu.memory_space<semaphore_mem>>) attributes {dimension_semantics = [#tpu.dimension_semantics<core_parallel>, #tpu.dimension_semantics<subcore_parallel>], iteration_bounds = array<i64: 2, 16>, scalar_prefetch = 0 : i64, scratch_operands = 5 : i64, tpu.core_type = #tpu.core_type<sc_vector_subcore>, window_params = [{transform_indices = #map}, {transform_indices = #map1}, {transform_indices = #map1}]} {
    %mul3A = arith.constant 2 : i32
    %mul3A_0 = arith.muli %arg1, %mul3A : i32
    %add3A = arith.addi %mul3A_0, %arg0 : i32
    %mul3A_1 = arith.constant 25600 : i32
    %mul3A_2 = arith.muli %add3A, %mul3A_1 : i32
    %multiple_of3A = tpu.assume_multiple %mul3A_2, 128 : i32
    %dma_start3A = tpu.memref_slice %arg2[%multiple_of3A] : memref<819200xi32, #tpu.memory_space<hbm>> -> memref<25600xi32, #tpu.memory_space<hbm>>
    %dma_start3A_3 = tpu.memref_slice %arg2[%multiple_of3A] : memref<819200xi32, #tpu.memory_space<hbm>> -> memref<25600xi32, #tpu.memory_space<hbm>>
    tpu.enqueue_dma source(%dma_start3A_3 : memref<25600xi32, #tpu.memory_space<hbm>>) target(%arg5 : memref<25600xi32, #tpu.memory_space<vmem>>) target_semaphore(%arg7 : memref<!tpu.dma_semaphore, #tpu.memory_space<semaphore_mem>>)
    %dma_wait3A = tpu.memref_slice %arg2[%multiple_of3A] : memref<819200xi32, #tpu.memory_space<hbm>> -> memref<25600xi32, #tpu.memory_space<hbm>>
    %dma_wait3A_4 = tpu.memref_slice %arg2[%multiple_of3A] : memref<819200xi32, #tpu.memory_space<hbm>> -> memref<25600xi32, #tpu.memory_space<hbm>>
    tpu.wait_dma2 semaphore(%arg7 : memref<!tpu.dma_semaphore, #tpu.memory_space<semaphore_mem>>) src(%dma_wait3A_4 : memref<25600xi32, #tpu.memory_space<hbm>>) dst(%arg5 : memref<25600xi32, #tpu.memory_space<vmem>>)
    %multiple_of3A_5 = arith.constant 0 : i32
    %multiple_of3A_6 = tpu.assume_multiple %multiple_of3A_5, 128 : i32
    %dma_start3A_7 = arith.constant 0 : i32
    %dma_start3A_8 = arith.constant 0 : i32
    %dma_start3A_9 = arith.constant 0 : i32
    %dma_start3A_10 = arith.constant 0 : i32
    %dma_start3A_11 = tpu.memref_slice %arg6[%dma_start3A_7, %dma_start3A_9, %dma_start3A_10] : memref<8x128x64xf32, #tpu.memory_space<vmem>> -> memref<1x128x64xf32, #tpu.memory_space<vmem>>
    %dma_start3A_12 = tpu.memref_squeeze %dma_start3A_11 : memref<1x128x64xf32, #tpu.memory_space<vmem>> -> memref<128x64xf32, #tpu.memory_space<vmem>>
    %dma_start3A_13 = tpu.memref_slice %arg5[%multiple_of3A_6] : memref<25600xi32, #tpu.memory_space<vmem>> -> memref<128xi32, #tpu.memory_space<vmem>>
    %dma_start3A_14 = arith.constant 0 : i32
    %dma_start3A_15 = arith.constant 0 : i32
    %dma_start3A_16 = tpu.memref_slice %arg3[%dma_start3A_14, %dma_start3A_15] : memref<1000000x64xf32, #tpu.memory_space<hbm>> -> memref<1000000x64xf32, #tpu.memory_space<hbm>>
    %dma_start3A_17 = tpu.memref_slice %arg8[%dma_start3A_8] : memref<8x!tpu.dma_semaphore, #tpu.memory_space<semaphore_mem>> -> memref<1x!tpu.dma_semaphore, #tpu.memory_space<semaphore_mem>>
    %dma_start3A_18 = tpu.memref_squeeze %dma_start3A_17 : memref<1x!tpu.dma_semaphore, #tpu.memory_space<semaphore_mem>> -> memref<!tpu.dma_semaphore, #tpu.memory_space<semaphore_mem>>
    tpu.enqueue_indirect_dma source(%dma_start3A_16 : memref<1000000x64xf32, #tpu.memory_space<hbm>>) target(%dma_start3A_12 : memref<128x64xf32, #tpu.memory_space<vmem>>) offsets(%dma_start3A_13 : memref<128xi32, #tpu.memory_space<vmem>>) semaphore(%dma_start3A_18 : memref<!tpu.dma_semaphore, #tpu.memory_space<semaphore_mem>>)
    %multiple_of3A_19 = arith.constant 128 : i32
    %multiple_of3A_20 = tpu.assume_multiple %multiple_of3A_19, 128 : i32
    %dma_start3A_21 = arith.constant 1 : i32
    %dma_start3A_22 = arith.constant 1 : i32
    %dma_start3A_23 = arith.constant 0 : i32
    %dma_start3A_24 = arith.constant 0 : i32
    %dma_start3A_25 = tpu.memref_slice %arg6[%dma_start3A_21, %dma_start3A_23, %dma_start3A_24] : memref<8x128x64xf32, #tpu.memory_space<vmem>> -> memref<1x128x64xf32, #tpu.memory_space<vmem>>
    %dma_start3A_26 = tpu.memref_squeeze %dma_start3A_25 : memref<1x128x64xf32, #tpu.memory_space<vmem>> -> memref<128x64xf32, #tpu.memory_space<vmem>>
    %dma_start3A_27 = tpu.memref_slice %arg5[%multiple_of3A_20] : memref<25600xi32, #tpu.memory_space<vmem>> -> memref<128xi32, #tpu.memory_space<vmem>>
    %dma_start3A_28 = arith.constant 0 : i32
    %dma_start3A_29 = arith.constant 0 : i32
    %dma_start3A_30 = tpu.memref_slice %arg3[%dma_start3A_28, %dma_start3A_29] : memref<1000000x64xf32, #tpu.memory_space<hbm>> -> memref<1000000x64xf32, #tpu.memory_space<hbm>>
    %dma_start3A_31 = tpu.memref_slice %arg8[%dma_start3A_22] : memref<8x!tpu.dma_semaphore, #tpu.memory_space<semaphore_mem>> -> memref<1x!tpu.dma_semaphore, #tpu.memory_space<semaphore_mem>>
    %dma_start3A_32 = tpu.memref_squeeze %dma_start3A_31 : memref<1x!tpu.dma_semaphore, #tpu.memory_space<semaphore_mem>> -> memref<!tpu.dma_semaphore, #tpu.memory_space<semaphore_mem>>
    tpu.enqueue_indirect_dma source(%dma_start3A_30 : memref<1000000x64xf32, #tpu.memory_space<hbm>>) target(%dma_start3A_26 : memref<128x64xf32, #tpu.memory_space<vmem>>) offsets(%dma_start3A_27 : memref<128xi32, #tpu.memory_space<vmem>>) semaphore(%dma_start3A_32 : memref<!tpu.dma_semaphore, #tpu.memory_space<semaphore_mem>>)
    %multiple_of3A_33 = arith.constant 256 : i32
    %multiple_of3A_34 = tpu.assume_multiple %multiple_of3A_33, 128 : i32
    %dma_start3A_35 = arith.constant 2 : i32
    %dma_start3A_36 = arith.constant 2 : i32
    %dma_start3A_37 = arith.constant 0 : i32
    %dma_start3A_38 = arith.constant 0 : i32
    %dma_start3A_39 = tpu.memref_slice %arg6[%dma_start3A_35, %dma_start3A_37, %dma_start3A_38] : memref<8x128x64xf32, #tpu.memory_space<vmem>> -> memref<1x128x64xf32, #tpu.memory_space<vmem>>
    %dma_start3A_40 = tpu.memref_squeeze %dma_start3A_39 : memref<1x128x64xf32, #tpu.memory_space<vmem>> -> memref<128x64xf32, #tpu.memory_space<vmem>>
    %dma_start3A_41 = tpu.memref_slice %arg5[%multiple_of3A_34] : memref<25600xi32, #tpu.memory_space<vmem>> -> memref<128xi32, #tpu.memory_space<vmem>>
    %dma_start3A_42 = arith.constant 0 : i32
    %dma_start3A_43 = arith.constant 0 : i32
    %dma_start3A_44 = tpu.memref_slice %arg3[%dma_start3A_42, %dma_start3A_43] : memref<1000000x64xf32, #tpu.memory_space<hbm>> -> memref<1000000x64xf32, #tpu.memory_space<hbm>>
    %dma_start3A_45 = tpu.memref_slice %arg8[%dma_start3A_36] : memref<8x!tpu.dma_semaphore, #tpu.memory_space<semaphore_mem>> -> memref<1x!tpu.dma_semaphore, #tpu.memory_space<semaphore_mem>>
    %dma_start3A_46 = tpu.memref_squeeze %dma_start3A_45 : memref<1x!tpu.dma_semaphore, #tpu.memory_space<semaphore_mem>> -> memref<!tpu.dma_semaphore, #tpu.memory_space<semaphore_mem>>
    tpu.enqueue_indirect_dma source(%dma_start3A_44 : memref<1000000x64xf32, #tpu.memory_space<hbm>>) target(%dma_start3A_40 : memref<128x64xf32, #tpu.memory_space<vmem>>) offsets(%dma_start3A_41 : memref<128xi32, #tpu.memory_space<vmem>>) semaphore(%dma_start3A_46 : memref<!tpu.dma_semaphore, #tpu.memory_space<semaphore_mem>>)
    %multiple_of3A_47 = arith.constant 384 : i32
    %multiple_of3A_48 = tpu.assume_multiple %multiple_of3A_47, 128 : i32
    %dma_start3A_49 = arith.constant 3 : i32
    %dma_start3A_50 = arith.constant 3 : i32
    %dma_start3A_51 = arith.constant 0 : i32
    %dma_start3A_52 = arith.constant 0 : i32
    %dma_start3A_53 = tpu.memref_slice %arg6[%dma_start3A_49, %dma_start3A_51, %dma_start3A_52] : memref<8x128x64xf32, #tpu.memory_space<vmem>> -> memref<1x128x64xf32, #tpu.memory_space<vmem>>
    %dma_start3A_54 = tpu.memref_squeeze %dma_start3A_53 : memref<1x128x64xf32, #tpu.memory_space<vmem>> -> memref<128x64xf32, #tpu.memory_space<vmem>>
    %dma_start3A_55 = tpu.memref_slice %arg5[%multiple_of3A_48] : memref<25600xi32, #tpu.memory_space<vmem>> -> memref<128xi32, #tpu.memory_space<vmem>>
    %dma_start3A_56 = arith.constant 0 : i32
    %dma_start3A_57 = arith.constant 0 : i32
    %dma_start3A_58 = tpu.memref_slice %arg3[%dma_start3A_56, %dma_start3A_57] : memref<1000000x64xf32, #tpu.memory_space<hbm>> -> memref<1000000x64xf32, #tpu.memory_space<hbm>>
    %dma_start3A_59 = tpu.memref_slice %arg8[%dma_start3A_50] : memref<8x!tpu.dma_semaphore, #tpu.memory_space<semaphore_mem>> -> memref<1x!tpu.dma_semaphore, #tpu.memory_space<semaphore_mem>>
    %dma_start3A_60 = tpu.memref_squeeze %dma_start3A_59 : memref<1x!tpu.dma_semaphore, #tpu.memory_space<semaphore_mem>> -> memref<!tpu.dma_semaphore, #tpu.memory_space<semaphore_mem>>
    tpu.enqueue_indirect_dma source(%dma_start3A_58 : memref<1000000x64xf32, #tpu.memory_space<hbm>>) target(%dma_start3A_54 : memref<128x64xf32, #tpu.memory_space<vmem>>) offsets(%dma_start3A_55 : memref<128xi32, #tpu.memory_space<vmem>>) semaphore(%dma_start3A_60 : memref<!tpu.dma_semaphore, #tpu.memory_space<semaphore_mem>>)
    %multiple_of3A_61 = arith.constant 512 : i32
    %multiple_of3A_62 = tpu.assume_multiple %multiple_of3A_61, 128 : i32
    %dma_start3A_63 = arith.constant 4 : i32
    %dma_start3A_64 = arith.constant 4 : i32
    %dma_start3A_65 = arith.constant 0 : i32
    %dma_start3A_66 = arith.constant 0 : i32
    %dma_start3A_67 = tpu.memref_slice %arg6[%dma_start3A_63, %dma_start3A_65, %dma_start3A_66] : memref<8x128x64xf32, #tpu.memory_space<vmem>> -> memref<1x128x64xf32, #tpu.memory_space<vmem>>
    %dma_start3A_68 = tpu.memref_squeeze %dma_start3A_67 : memref<1x128x64xf32, #tpu.memory_space<vmem>> -> memref<128x64xf32, #tpu.memory_space<vmem>>
    %dma_start3A_69 = tpu.memref_slice %arg5[%multiple_of3A_62] : memref<25600xi32, #tpu.memory_space<vmem>> -> memref<128xi32, #tpu.memory_space<vmem>>
    %dma_start3A_70 = arith.constant 0 : i32
    %dma_start3A_71 = arith.constant 0 : i32
    %dma_start3A_72 = tpu.memref_slice %arg3[%dma_start3A_70, %dma_start3A_71] : memref<1000000x64xf32, #tpu.memory_space<hbm>> -> memref<1000000x64xf32, #tpu.memory_space<hbm>>
    %dma_start3A_73 = tpu.memref_slice %arg8[%dma_start3A_64] : memref<8x!tpu.dma_semaphore, #tpu.memory_space<semaphore_mem>> -> memref<1x!tpu.dma_semaphore, #tpu.memory_space<semaphore_mem>>
    %dma_start3A_74 = tpu.memref_squeeze %dma_start3A_73 : memref<1x!tpu.dma_semaphore, #tpu.memory_space<semaphore_mem>> -> memref<!tpu.dma_semaphore, #tpu.memory_space<semaphore_mem>>
    tpu.enqueue_indirect_dma source(%dma_start3A_72 : memref<1000000x64xf32, #tpu.memory_space<hbm>>) target(%dma_start3A_68 : memref<128x64xf32, #tpu.memory_space<vmem>>) offsets(%dma_start3A_69 : memref<128xi32, #tpu.memory_space<vmem>>) semaphore(%dma_start3A_74 : memref<!tpu.dma_semaphore, #tpu.memory_space<semaphore_mem>>)
    %multiple_of3A_75 = arith.constant 640 : i32
    %multiple_of3A_76 = tpu.assume_multiple %multiple_of3A_75, 128 : i32
    %dma_start3A_77 = arith.constant 5 : i32
    %dma_start3A_78 = arith.constant 5 : i32
    %dma_start3A_79 = arith.constant 0 : i32
    %dma_start3A_80 = arith.constant 0 : i32
    %dma_start3A_81 = tpu.memref_slice %arg6[%dma_start3A_77, %dma_start3A_79, %dma_start3A_80] : memref<8x128x64xf32, #tpu.memory_space<vmem>> -> memref<1x128x64xf32, #tpu.memory_space<vmem>>
    %dma_start3A_82 = tpu.memref_squeeze %dma_start3A_81 : memref<1x128x64xf32, #tpu.memory_space<vmem>> -> memref<128x64xf32, #tpu.memory_space<vmem>>
    %dma_start3A_83 = tpu.memref_slice %arg5[%multiple_of3A_76] : memref<25600xi32, #tpu.memory_space<vmem>> -> memref<128xi32, #tpu.memory_space<vmem>>
    %dma_start3A_84 = arith.constant 0 : i32
    %dma_start3A_85 = arith.constant 0 : i32
    %dma_start3A_86 = tpu.memref_slice %arg3[%dma_start3A_84, %dma_start3A_85] : memref<1000000x64xf32, #tpu.memory_space<hbm>> -> memref<1000000x64xf32, #tpu.memory_space<hbm>>
    %dma_start3A_87 = tpu.memref_slice %arg8[%dma_start3A_78] : memref<8x!tpu.dma_semaphore, #tpu.memory_space<semaphore_mem>> -> memref<1x!tpu.dma_semaphore, #tpu.memory_space<semaphore_mem>>
    %dma_start3A_88 = tpu.memref_squeeze %dma_start3A_87 : memref<1x!tpu.dma_semaphore, #tpu.memory_space<semaphore_mem>> -> memref<!tpu.dma_semaphore, #tpu.memory_space<semaphore_mem>>
    tpu.enqueue_indirect_dma source(%dma_start3A_86 : memref<1000000x64xf32, #tpu.memory_space<hbm>>) target(%dma_start3A_82 : memref<128x64xf32, #tpu.memory_space<vmem>>) offsets(%dma_start3A_83 : memref<128xi32, #tpu.memory_space<vmem>>) semaphore(%dma_start3A_88 : memref<!tpu.dma_semaphore, #tpu.memory_space<semaphore_mem>>)
    %multiple_of3A_89 = arith.constant 768 : i32
    %multiple_of3A_90 = tpu.assume_multiple %multiple_of3A_89, 128 : i32
    %dma_start3A_91 = arith.constant 6 : i32
    %dma_start3A_92 = arith.constant 6 : i32
    %dma_start3A_93 = arith.constant 0 : i32
    %dma_start3A_94 = arith.constant 0 : i32
    %dma_start3A_95 = tpu.memref_slice %arg6[%dma_start3A_91, %dma_start3A_93, %dma_start3A_94] : memref<8x128x64xf32, #tpu.memory_space<vmem>> -> memref<1x128x64xf32, #tpu.memory_space<vmem>>
    %dma_start3A_96 = tpu.memref_squeeze %dma_start3A_95 : memref<1x128x64xf32, #tpu.memory_space<vmem>> -> memref<128x64xf32, #tpu.memory_space<vmem>>
    %dma_start3A_97 = tpu.memref_slice %arg5[%multiple_of3A_90] : memref<25600xi32, #tpu.memory_space<vmem>> -> memref<128xi32, #tpu.memory_space<vmem>>
    %dma_start3A_98 = arith.constant 0 : i32
    %dma_start3A_99 = arith.constant 0 : i32
    %dma_start3A_100 = tpu.memref_slice %arg3[%dma_start3A_98, %dma_start3A_99] : memref<1000000x64xf32, #tpu.memory_space<hbm>> -> memref<1000000x64xf32, #tpu.memory_space<hbm>>
    %dma_start3A_101 = tpu.memref_slice %arg8[%dma_start3A_92] : memref<8x!tpu.dma_semaphore, #tpu.memory_space<semaphore_mem>> -> memref<1x!tpu.dma_semaphore, #tpu.memory_space<semaphore_mem>>
    %dma_start3A_102 = tpu.memref_squeeze %dma_start3A_101 : memref<1x!tpu.dma_semaphore, #tpu.memory_space<semaphore_mem>> -> memref<!tpu.dma_semaphore, #tpu.memory_space<semaphore_mem>>
    tpu.enqueue_indirect_dma source(%dma_start3A_100 : memref<1000000x64xf32, #tpu.memory_space<hbm>>) target(%dma_start3A_96 : memref<128x64xf32, #tpu.memory_space<vmem>>) offsets(%dma_start3A_97 : memref<128xi32, #tpu.memory_space<vmem>>) semaphore(%dma_start3A_102 : memref<!tpu.dma_semaphore, #tpu.memory_space<semaphore_mem>>)
    %multiple_of3A_103 = arith.constant 896 : i32
    %multiple_of3A_104 = tpu.assume_multiple %multiple_of3A_103, 128 : i32
    %dma_start3A_105 = arith.constant 7 : i32
    %dma_start3A_106 = arith.constant 7 : i32
    %dma_start3A_107 = arith.constant 0 : i32
    %dma_start3A_108 = arith.constant 0 : i32
    %dma_start3A_109 = tpu.memref_slice %arg6[%dma_start3A_105, %dma_start3A_107, %dma_start3A_108] : memref<8x128x64xf32, #tpu.memory_space<vmem>> -> memref<1x128x64xf32, #tpu.memory_space<vmem>>
    %dma_start3A_110 = tpu.memref_squeeze %dma_start3A_109 : memref<1x128x64xf32, #tpu.memory_space<vmem>> -> memref<128x64xf32, #tpu.memory_space<vmem>>
    %dma_start3A_111 = tpu.memref_slice %arg5[%multiple_of3A_104] : memref<25600xi32, #tpu.memory_space<vmem>> -> memref<128xi32, #tpu.memory_space<vmem>>
    %dma_start3A_112 = arith.constant 0 : i32
    %dma_start3A_113 = arith.constant 0 : i32
    %dma_start3A_114 = tpu.memref_slice %arg3[%dma_start3A_112, %dma_start3A_113] : memref<1000000x64xf32, #tpu.memory_space<hbm>> -> memref<1000000x64xf32, #tpu.memory_space<hbm>>
    %dma_start3A_115 = tpu.memref_slice %arg8[%dma_start3A_106] : memref<8x!tpu.dma_semaphore, #tpu.memory_space<semaphore_mem>> -> memref<1x!tpu.dma_semaphore, #tpu.memory_space<semaphore_mem>>
    %dma_start3A_116 = tpu.memref_squeeze %dma_start3A_115 : memref<1x!tpu.dma_semaphore, #tpu.memory_space<semaphore_mem>> -> memref<!tpu.dma_semaphore, #tpu.memory_space<semaphore_mem>>
    tpu.enqueue_indirect_dma source(%dma_start3A_114 : memref<1000000x64xf32, #tpu.memory_space<hbm>>) target(%dma_start3A_110 : memref<128x64xf32, #tpu.memory_space<vmem>>) offsets(%dma_start3A_111 : memref<128xi32, #tpu.memory_space<vmem>>) semaphore(%dma_start3A_116 : memref<!tpu.dma_semaphore, #tpu.memory_space<semaphore_mem>>)
    %scan3A = arith.constant 0 : i32
    %scan3A_117 = arith.constant 0 : i32
    %scan3A_118 = arith.constant 24 : i32
    %scan3A_119 = arith.addi %scan3A_117, %scan3A_118 : i32
    %scan3A_120 = arith.constant 1 : i32
    scf.for %scan3A_538 = %scan3A_117 to %scan3A_119 step %scan3A_120  : i32 {
      %mul3A_539 = arith.constant 8 : i32
      %mul3A_540 = arith.muli %scan3A_538, %mul3A_539 : i32
      %add3A_541 = arith.constant 0 : i32
      %add3A_542 = arith.addi %mul3A_540, %add3A_541 : i32
      %mul3A_543 = arith.constant 128 : i32
      %mul3A_544 = arith.muli %add3A_542, %mul3A_543 : i32
      %multiple_of3A_545 = tpu.assume_multiple %mul3A_544, 128 : i32
      %dma_wait3A_546 = arith.constant 0 : i32
      %dma_wait3A_547 = arith.constant 0 : i32
      %dma_wait3A_548 = arith.constant 0 : i32
      %dma_wait3A_549 = arith.constant 0 : i32
      %dma_wait3A_550 = tpu.memref_slice %arg6[%dma_wait3A_546, %dma_wait3A_548, %dma_wait3A_549] : memref<8x128x64xf32, #tpu.memory_space<vmem>> -> memref<1x128x64xf32, #tpu.memory_space<vmem>>
      %dma_wait3A_551 = tpu.memref_squeeze %dma_wait3A_550 : memref<1x128x64xf32, #tpu.memory_space<vmem>> -> memref<128x64xf32, #tpu.memory_space<vmem>>
      %dma_wait3A_552 = tpu.memref_slice %arg5[%multiple_of3A_545] : memref<25600xi32, #tpu.memory_space<vmem>> -> memref<128xi32, #tpu.memory_space<vmem>>
      %dma_wait3A_553 = arith.constant 0 : i32
      %dma_wait3A_554 = arith.constant 0 : i32
      %dma_wait3A_555 = tpu.memref_slice %arg3[%dma_wait3A_553, %dma_wait3A_554] : memref<1000000x64xf32, #tpu.memory_space<hbm>> -> memref<1000000x64xf32, #tpu.memory_space<hbm>>
      %dma_wait3A_556 = tpu.memref_slice %arg8[%dma_wait3A_547] : memref<8x!tpu.dma_semaphore, #tpu.memory_space<semaphore_mem>> -> memref<1x!tpu.dma_semaphore, #tpu.memory_space<semaphore_mem>>
      %dma_wait3A_557 = tpu.memref_squeeze %dma_wait3A_556 : memref<1x!tpu.dma_semaphore, #tpu.memory_space<semaphore_mem>> -> memref<!tpu.dma_semaphore, #tpu.memory_space<semaphore_mem>>
      tpu.wait_indirect_dma semaphore(%dma_wait3A_557 : memref<!tpu.dma_semaphore, #tpu.memory_space<semaphore_mem>>) src(%dma_wait3A_555 : memref<1000000x64xf32, #tpu.memory_space<hbm>>) dst(%dma_wait3A_551 : memref<128x64xf32, #tpu.memory_space<vmem>>)
      %add3A_558 = arith.constant 0 : i32
      %add3A_559 = arith.addi %mul3A_540, %add3A_558 : i32
      %mul3A_560 = arith.constant 128 : i32
      %mul3A_561 = arith.muli %add3A_559, %mul3A_560 : i32
      %add3A_562 = arith.addi %multiple_of3A, %mul3A_561 : i32
      %multiple_of3A_563 = tpu.assume_multiple %add3A_562, 128 : i32
      %dma_start3A_564 = arith.constant 0 : i32
      %dma_start3A_565 = arith.constant 0 : i32
      %dma_start3A_566 = arith.constant 0 : i32
      %dma_start3A_567 = arith.constant 0 : i32
      %dma_start3A_568 = tpu.memref_slice %arg6[%dma_start3A_564, %dma_start3A_566, %dma_start3A_567] : memref<8x128x64xf32, #tpu.memory_space<vmem>> -> memref<1x128x64xf32, #tpu.memory_space<vmem>>
      %dma_start3A_569 = tpu.memref_squeeze %dma_start3A_568 : memref<1x128x64xf32, #tpu.memory_space<vmem>> -> memref<128x64xf32, #tpu.memory_space<vmem>>
      %dma_start3A_570 = arith.constant 0 : i32
      %dma_start3A_571 = tpu.memref_slice %arg4[%multiple_of3A_563, %dma_start3A_570] : memref<819200x64xf32, #tpu.memory_space<hbm>> -> memref<128x64xf32, #tpu.memory_space<hbm>>
      %dma_start3A_572 = tpu.memref_slice %arg9[%dma_start3A_565] : memref<8x!tpu.dma_semaphore, #tpu.memory_space<semaphore_mem>> -> memref<1x!tpu.dma_semaphore, #tpu.memory_space<semaphore_mem>>
      %dma_start3A_573 = tpu.memref_squeeze %dma_start3A_572 : memref<1x!tpu.dma_semaphore, #tpu.memory_space<semaphore_mem>> -> memref<!tpu.dma_semaphore, #tpu.memory_space<semaphore_mem>>
      %dma_start3A_574 = arith.constant 0 : i32
      %dma_start3A_575 = tpu.memref_slice %arg4[%multiple_of3A_563, %dma_start3A_574] : memref<819200x64xf32, #tpu.memory_space<hbm>> -> memref<128x64xf32, #tpu.memory_space<hbm>>
      %dma_start3A_576 = arith.constant 0 : i32
      %dma_start3A_577 = arith.constant 0 : i32
      %dma_start3A_578 = tpu.memref_slice %arg6[%dma_start3A_564, %dma_start3A_576, %dma_start3A_577] : memref<8x128x64xf32, #tpu.memory_space<vmem>> -> memref<1x128x64xf32, #tpu.memory_space<vmem>>
      %dma_start3A_579 = tpu.memref_squeeze %dma_start3A_578 : memref<1x128x64xf32, #tpu.memory_space<vmem>> -> memref<128x64xf32, #tpu.memory_space<vmem>>
      tpu.enqueue_dma source(%dma_start3A_579 : memref<128x64xf32, #tpu.memory_space<vmem>>) target(%dma_start3A_575 : memref<128x64xf32, #tpu.memory_space<hbm>>) target_semaphore(%dma_start3A_573 : memref<!tpu.dma_semaphore, #tpu.memory_space<semaphore_mem>>)
      %add3A_580 = arith.constant 1 : i32
      %add3A_581 = arith.addi %mul3A_540, %add3A_580 : i32
      %mul3A_582 = arith.constant 128 : i32
      %mul3A_583 = arith.muli %add3A_581, %mul3A_582 : i32
      %multiple_of3A_584 = tpu.assume_multiple %mul3A_583, 128 : i32
      %dma_wait3A_585 = arith.constant 1 : i32
      %dma_wait3A_586 = arith.constant 1 : i32
      %dma_wait3A_587 = arith.constant 0 : i32
      %dma_wait3A_588 = arith.constant 0 : i32
      %dma_wait3A_589 = tpu.memref_slice %arg6[%dma_wait3A_585, %dma_wait3A_587, %dma_wait3A_588] : memref<8x128x64xf32, #tpu.memory_space<vmem>> -> memref<1x128x64xf32, #tpu.memory_space<vmem>>
      %dma_wait3A_590 = tpu.memref_squeeze %dma_wait3A_589 : memref<1x128x64xf32, #tpu.memory_space<vmem>> -> memref<128x64xf32, #tpu.memory_space<vmem>>
      %dma_wait3A_591 = tpu.memref_slice %arg5[%multiple_of3A_584] : memref<25600xi32, #tpu.memory_space<vmem>> -> memref<128xi32, #tpu.memory_space<vmem>>
      %dma_wait3A_592 = arith.constant 0 : i32
      %dma_wait3A_593 = arith.constant 0 : i32
      %dma_wait3A_594 = tpu.memref_slice %arg3[%dma_wait3A_592, %dma_wait3A_593] : memref<1000000x64xf32, #tpu.memory_space<hbm>> -> memref<1000000x64xf32, #tpu.memory_space<hbm>>
      %dma_wait3A_595 = tpu.memref_slice %arg8[%dma_wait3A_586] : memref<8x!tpu.dma_semaphore, #tpu.memory_space<semaphore_mem>> -> memref<1x!tpu.dma_semaphore, #tpu.memory_space<semaphore_mem>>
      %dma_wait3A_596 = tpu.memref_squeeze %dma_wait3A_595 : memref<1x!tpu.dma_semaphore, #tpu.memory_space<semaphore_mem>> -> memref<!tpu.dma_semaphore, #tpu.memory_space<semaphore_mem>>
      tpu.wait_indirect_dma semaphore(%dma_wait3A_596 : memref<!tpu.dma_semaphore, #tpu.memory_space<semaphore_mem>>) src(%dma_wait3A_594 : memref<1000000x64xf32, #tpu.memory_space<hbm>>) dst(%dma_wait3A_590 : memref<128x64xf32, #tpu.memory_space<vmem>>)
      %add3A_597 = arith.constant 1 : i32
      %add3A_598 = arith.addi %mul3A_540, %add3A_597 : i32
      %mul3A_599 = arith.constant 128 : i32
      %mul3A_600 = arith.muli %add3A_598, %mul3A_599 : i32
      %add3A_601 = arith.addi %multiple_of3A, %mul3A_600 : i32
      %multiple_of3A_602 = tpu.assume_multiple %add3A_601, 128 : i32
      %dma_start3A_603 = arith.constant 1 : i32
      %dma_start3A_604 = arith.constant 1 : i32
      %dma_start3A_605 = arith.constant 0 : i32
      %dma_start3A_606 = arith.constant 0 : i32
      %dma_start3A_607 = tpu.memref_slice %arg6[%dma_start3A_603, %dma_start3A_605, %dma_start3A_606] : memref<8x128x64xf32, #tpu.memory_space<vmem>> -> memref<1x128x64xf32, #tpu.memory_space<vmem>>
      %dma_start3A_608 = tpu.memref_squeeze %dma_start3A_607 : memref<1x128x64xf32, #tpu.memory_space<vmem>> -> memref<128x64xf32, #tpu.memory_space<vmem>>
      %dma_start3A_609 = arith.constant 0 : i32
      %dma_start3A_610 = tpu.memref_slice %arg4[%multiple_of3A_602, %dma_start3A_609] : memref<819200x64xf32, #tpu.memory_space<hbm>> -> memref<128x64xf32, #tpu.memory_space<hbm>>
      %dma_start3A_611 = tpu.memref_slice %arg9[%dma_start3A_604] : memref<8x!tpu.dma_semaphore, #tpu.memory_space<semaphore_mem>> -> memref<1x!tpu.dma_semaphore, #tpu.memory_space<semaphore_mem>>
      %dma_start3A_612 = tpu.memref_squeeze %dma_start3A_611 : memref<1x!tpu.dma_semaphore, #tpu.memory_space<semaphore_mem>> -> memref<!tpu.dma_semaphore, #tpu.memory_space<semaphore_mem>>
      %dma_start3A_613 = arith.constant 0 : i32
      %dma_start3A_614 = tpu.memref_slice %arg4[%multiple_of3A_602, %dma_start3A_613] : memref<819200x64xf32, #tpu.memory_space<hbm>> -> memref<128x64xf32, #tpu.memory_space<hbm>>
      %dma_start3A_615 = arith.constant 0 : i32
      %dma_start3A_616 = arith.constant 0 : i32
      %dma_start3A_617 = tpu.memref_slice %arg6[%dma_start3A_603, %dma_start3A_615, %dma_start3A_616] : memref<8x128x64xf32, #tpu.memory_space<vmem>> -> memref<1x128x64xf32, #tpu.memory_space<vmem>>
      %dma_start3A_618 = tpu.memref_squeeze %dma_start3A_617 : memref<1x128x64xf32, #tpu.memory_space<vmem>> -> memref<128x64xf32, #tpu.memory_space<vmem>>
      tpu.enqueue_dma source(%dma_start3A_618 : memref<128x64xf32, #tpu.memory_space<vmem>>) target(%dma_start3A_614 : memref<128x64xf32, #tpu.memory_space<hbm>>) target_semaphore(%dma_start3A_612 : memref<!tpu.dma_semaphore, #tpu.memory_space<semaphore_mem>>)
      %add3A_619 = arith.constant 2 : i32
      %add3A_620 = arith.addi %mul3A_540, %add3A_619 : i32
      %mul3A_621 = arith.constant 128 : i32
      %mul3A_622 = arith.muli %add3A_620, %mul3A_621 : i32
      %multiple_of3A_623 = tpu.assume_multiple %mul3A_622, 128 : i32
      %dma_wait3A_624 = arith.constant 2 : i32
      %dma_wait3A_625 = arith.constant 2 : i32
      %dma_wait3A_626 = arith.constant 0 : i32
      %dma_wait3A_627 = arith.constant 0 : i32
      %dma_wait3A_628 = tpu.memref_slice %arg6[%dma_wait3A_624, %dma_wait3A_626, %dma_wait3A_627] : memref<8x128x64xf32, #tpu.memory_space<vmem>> -> memref<1x128x64xf32, #tpu.memory_space<vmem>>
      %dma_wait3A_629 = tpu.memref_squeeze %dma_wait3A_628 : memref<1x128x64xf32, #tpu.memory_space<vmem>> -> memref<128x64xf32, #tpu.memory_space<vmem>>
      %dma_wait3A_630 = tpu.memref_slice %arg5[%multiple_of3A_623] : memref<25600xi32, #tpu.memory_space<vmem>> -> memref<128xi32, #tpu.memory_space<vmem>>
      %dma_wait3A_631 = arith.constant 0 : i32
      %dma_wait3A_632 = arith.constant 0 : i32
      %dma_wait3A_633 = tpu.memref_slice %arg3[%dma_wait3A_631, %dma_wait3A_632] : memref<1000000x64xf32, #tpu.memory_space<hbm>> -> memref<1000000x64xf32, #tpu.memory_space<hbm>>
      %dma_wait3A_634 = tpu.memref_slice %arg8[%dma_wait3A_625] : memref<8x!tpu.dma_semaphore, #tpu.memory_space<semaphore_mem>> -> memref<1x!tpu.dma_semaphore, #tpu.memory_space<semaphore_mem>>
      %dma_wait3A_635 = tpu.memref_squeeze %dma_wait3A_634 : memref<1x!tpu.dma_semaphore, #tpu.memory_space<semaphore_mem>> -> memref<!tpu.dma_semaphore, #tpu.memory_space<semaphore_mem>>
      tpu.wait_indirect_dma semaphore(%dma_wait3A_635 : memref<!tpu.dma_semaphore, #tpu.memory_space<semaphore_mem>>) src(%dma_wait3A_633 : memref<1000000x64xf32, #tpu.memory_space<hbm>>) dst(%dma_wait3A_629 : memref<128x64xf32, #tpu.memory_space<vmem>>)
      %add3A_636 = arith.constant 2 : i32
      %add3A_637 = arith.addi %mul3A_540, %add3A_636 : i32
      %mul3A_638 = arith.constant 128 : i32
      %mul3A_639 = arith.muli %add3A_637, %mul3A_638 : i32
      %add3A_640 = arith.addi %multiple_of3A, %mul3A_639 : i32
      %multiple_of3A_641 = tpu.assume_multiple %add3A_640, 128 : i32
      %dma_start3A_642 = arith.constant 2 : i32
      %dma_start3A_643 = arith.constant 2 : i32
      %dma_start3A_644 = arith.constant 0 : i32
      %dma_start3A_645 = arith.constant 0 : i32
      %dma_start3A_646 = tpu.memref_slice %arg6[%dma_start3A_642, %dma_start3A_644, %dma_start3A_645] : memref<8x128x64xf32, #tpu.memory_space<vmem>> -> memref<1x128x64xf32, #tpu.memory_space<vmem>>
      %dma_start3A_647 = tpu.memref_squeeze %dma_start3A_646 : memref<1x128x64xf32, #tpu.memory_space<vmem>> -> memref<128x64xf32, #tpu.memory_space<vmem>>
      %dma_start3A_648 = arith.constant 0 : i32
      %dma_start3A_649 = tpu.memref_slice %arg4[%multiple_of3A_641, %dma_start3A_648] : memref<819200x64xf32, #tpu.memory_space<hbm>> -> memref<128x64xf32, #tpu.memory_space<hbm>>
      %dma_start3A_650 = tpu.memref_slice %arg9[%dma_start3A_643] : memref<8x!tpu.dma_semaphore, #tpu.memory_space<semaphore_mem>> -> memref<1x!tpu.dma_semaphore, #tpu.memory_space<semaphore_mem>>
      %dma_start3A_651 = tpu.memref_squeeze %dma_start3A_650 : memref<1x!tpu.dma_semaphore, #tpu.memory_space<semaphore_mem>> -> memref<!tpu.dma_semaphore, #tpu.memory_space<semaphore_mem>>
      %dma_start3A_652 = arith.constant 0 : i32
      %dma_start3A_653 = tpu.memref_slice %arg4[%multiple_of3A_641, %dma_start3A_652] : memref<819200x64xf32, #tpu.memory_space<hbm>> -> memref<128x64xf32, #tpu.memory_space<hbm>>
      %dma_start3A_654 = arith.constant 0 : i32
      %dma_start3A_655 = arith.constant 0 : i32
      %dma_start3A_656 = tpu.memref_slice %arg6[%dma_start3A_642, %dma_start3A_654, %dma_start3A_655] : memref<8x128x64xf32, #tpu.memory_space<vmem>> -> memref<1x128x64xf32, #tpu.memory_space<vmem>>
      %dma_start3A_657 = tpu.memref_squeeze %dma_start3A_656 : memref<1x128x64xf32, #tpu.memory_space<vmem>> -> memref<128x64xf32, #tpu.memory_space<vmem>>
      tpu.enqueue_dma source(%dma_start3A_657 : memref<128x64xf32, #tpu.memory_space<vmem>>) target(%dma_start3A_653 : memref<128x64xf32, #tpu.memory_space<hbm>>) target_semaphore(%dma_start3A_651 : memref<!tpu.dma_semaphore, #tpu.memory_space<semaphore_mem>>)
      %add3A_658 = arith.constant 3 : i32
      %add3A_659 = arith.addi %mul3A_540, %add3A_658 : i32
      %mul3A_660 = arith.constant 128 : i32
      %mul3A_661 = arith.muli %add3A_659, %mul3A_660 : i32
      %multiple_of3A_662 = tpu.assume_multiple %mul3A_661, 128 : i32
      %dma_wait3A_663 = arith.constant 3 : i32
      %dma_wait3A_664 = arith.constant 3 : i32
      %dma_wait3A_665 = arith.constant 0 : i32
      %dma_wait3A_666 = arith.constant 0 : i32
      %dma_wait3A_667 = tpu.memref_slice %arg6[%dma_wait3A_663, %dma_wait3A_665, %dma_wait3A_666] : memref<8x128x64xf32, #tpu.memory_space<vmem>> -> memref<1x128x64xf32, #tpu.memory_space<vmem>>
      %dma_wait3A_668 = tpu.memref_squeeze %dma_wait3A_667 : memref<1x128x64xf32, #tpu.memory_space<vmem>> -> memref<128x64xf32, #tpu.memory_space<vmem>>
      %dma_wait3A_669 = tpu.memref_slice %arg5[%multiple_of3A_662] : memref<25600xi32, #tpu.memory_space<vmem>> -> memref<128xi32, #tpu.memory_space<vmem>>
      %dma_wait3A_670 = arith.constant 0 : i32
      %dma_wait3A_671 = arith.constant 0 : i32
      %dma_wait3A_672 = tpu.memref_slice %arg3[%dma_wait3A_670, %dma_wait3A_671] : memref<1000000x64xf32, #tpu.memory_space<hbm>> -> memref<1000000x64xf32, #tpu.memory_space<hbm>>
      %dma_wait3A_673 = tpu.memref_slice %arg8[%dma_wait3A_664] : memref<8x!tpu.dma_semaphore, #tpu.memory_space<semaphore_mem>> -> memref<1x!tpu.dma_semaphore, #tpu.memory_space<semaphore_mem>>
      %dma_wait3A_674 = tpu.memref_squeeze %dma_wait3A_673 : memref<1x!tpu.dma_semaphore, #tpu.memory_space<semaphore_mem>> -> memref<!tpu.dma_semaphore, #tpu.memory_space<semaphore_mem>>
      tpu.wait_indirect_dma semaphore(%dma_wait3A_674 : memref<!tpu.dma_semaphore, #tpu.memory_space<semaphore_mem>>) src(%dma_wait3A_672 : memref<1000000x64xf32, #tpu.memory_space<hbm>>) dst(%dma_wait3A_668 : memref<128x64xf32, #tpu.memory_space<vmem>>)
      %add3A_675 = arith.constant 3 : i32
      %add3A_676 = arith.addi %mul3A_540, %add3A_675 : i32
      %mul3A_677 = arith.constant 128 : i32
      %mul3A_678 = arith.muli %add3A_676, %mul3A_677 : i32
      %add3A_679 = arith.addi %multiple_of3A, %mul3A_678 : i32
      %multiple_of3A_680 = tpu.assume_multiple %add3A_679, 128 : i32
      %dma_start3A_681 = arith.constant 3 : i32
      %dma_start3A_682 = arith.constant 3 : i32
      %dma_start3A_683 = arith.constant 0 : i32
      %dma_start3A_684 = arith.constant 0 : i32
      %dma_start3A_685 = tpu.memref_slice %arg6[%dma_start3A_681, %dma_start3A_683, %dma_start3A_684] : memref<8x128x64xf32, #tpu.memory_space<vmem>> -> memref<1x128x64xf32, #tpu.memory_space<vmem>>
      %dma_start3A_686 = tpu.memref_squeeze %dma_start3A_685 : memref<1x128x64xf32, #tpu.memory_space<vmem>> -> memref<128x64xf32, #tpu.memory_space<vmem>>
      %dma_start3A_687 = arith.constant 0 : i32
      %dma_start3A_688 = tpu.memref_slice %arg4[%multiple_of3A_680, %dma_start3A_687] : memref<819200x64xf32, #tpu.memory_space<hbm>> -> memref<128x64xf32, #tpu.memory_space<hbm>>
      %dma_start3A_689 = tpu.memref_slice %arg9[%dma_start3A_682] : memref<8x!tpu.dma_semaphore, #tpu.memory_space<semaphore_mem>> -> memref<1x!tpu.dma_semaphore, #tpu.memory_space<semaphore_mem>>
      %dma_start3A_690 = tpu.memref_squeeze %dma_start3A_689 : memref<1x!tpu.dma_semaphore, #tpu.memory_space<semaphore_mem>> -> memref<!tpu.dma_semaphore, #tpu.memory_space<semaphore_mem>>
      %dma_start3A_691 = arith.constant 0 : i32
      %dma_start3A_692 = tpu.memref_slice %arg4[%multiple_of3A_680, %dma_start3A_691] : memref<819200x64xf32, #tpu.memory_space<hbm>> -> memref<128x64xf32, #tpu.memory_space<hbm>>
      %dma_start3A_693 = arith.constant 0 : i32
      %dma_start3A_694 = arith.constant 0 : i32
      %dma_start3A_695 = tpu.memref_slice %arg6[%dma_start3A_681, %dma_start3A_693, %dma_start3A_694] : memref<8x128x64xf32, #tpu.memory_space<vmem>> -> memref<1x128x64xf32, #tpu.memory_space<vmem>>
      %dma_start3A_696 = tpu.memref_squeeze %dma_start3A_695 : memref<1x128x64xf32, #tpu.memory_space<vmem>> -> memref<128x64xf32, #tpu.memory_space<vmem>>
      tpu.enqueue_dma source(%dma_start3A_696 : memref<128x64xf32, #tpu.memory_space<vmem>>) target(%dma_start3A_692 : memref<128x64xf32, #tpu.memory_space<hbm>>) target_semaphore(%dma_start3A_690 : memref<!tpu.dma_semaphore, #tpu.memory_space<semaphore_mem>>)
      %add3A_697 = arith.constant 4 : i32
      %add3A_698 = arith.addi %mul3A_540, %add3A_697 : i32
      %mul3A_699 = arith.constant 128 : i32
      %mul3A_700 = arith.muli %add3A_698, %mul3A_699 : i32
      %multiple_of3A_701 = tpu.assume_multiple %mul3A_700, 128 : i32
      %dma_wait3A_702 = arith.constant 4 : i32
      %dma_wait3A_703 = arith.constant 4 : i32
      %dma_wait3A_704 = arith.constant 0 : i32
      %dma_wait3A_705 = arith.constant 0 : i32
      %dma_wait3A_706 = tpu.memref_slice %arg6[%dma_wait3A_702, %dma_wait3A_704, %dma_wait3A_705] : memref<8x128x64xf32, #tpu.memory_space<vmem>> -> memref<1x128x64xf32, #tpu.memory_space<vmem>>
      %dma_wait3A_707 = tpu.memref_squeeze %dma_wait3A_706 : memref<1x128x64xf32, #tpu.memory_space<vmem>> -> memref<128x64xf32, #tpu.memory_space<vmem>>
      %dma_wait3A_708 = tpu.memref_slice %arg5[%multiple_of3A_701] : memref<25600xi32, #tpu.memory_space<vmem>> -> memref<128xi32, #tpu.memory_space<vmem>>
      %dma_wait3A_709 = arith.constant 0 : i32
      %dma_wait3A_710 = arith.constant 0 : i32
      %dma_wait3A_711 = tpu.memref_slice %arg3[%dma_wait3A_709, %dma_wait3A_710] : memref<1000000x64xf32, #tpu.memory_space<hbm>> -> memref<1000000x64xf32, #tpu.memory_space<hbm>>
      %dma_wait3A_712 = tpu.memref_slice %arg8[%dma_wait3A_703] : memref<8x!tpu.dma_semaphore, #tpu.memory_space<semaphore_mem>> -> memref<1x!tpu.dma_semaphore, #tpu.memory_space<semaphore_mem>>
      %dma_wait3A_713 = tpu.memref_squeeze %dma_wait3A_712 : memref<1x!tpu.dma_semaphore, #tpu.memory_space<semaphore_mem>> -> memref<!tpu.dma_semaphore, #tpu.memory_space<semaphore_mem>>
      tpu.wait_indirect_dma semaphore(%dma_wait3A_713 : memref<!tpu.dma_semaphore, #tpu.memory_space<semaphore_mem>>) src(%dma_wait3A_711 : memref<1000000x64xf32, #tpu.memory_space<hbm>>) dst(%dma_wait3A_707 : memref<128x64xf32, #tpu.memory_space<vmem>>)
      %add3A_714 = arith.constant 4 : i32
      %add3A_715 = arith.addi %mul3A_540, %add3A_714 : i32
      %mul3A_716 = arith.constant 128 : i32
      %mul3A_717 = arith.muli %add3A_715, %mul3A_716 : i32
      %add3A_718 = arith.addi %multiple_of3A, %mul3A_717 : i32
      %multiple_of3A_719 = tpu.assume_multiple %add3A_718, 128 : i32
      %dma_start3A_720 = arith.constant 4 : i32
      %dma_start3A_721 = arith.constant 4 : i32
      %dma_start3A_722 = arith.constant 0 : i32
      %dma_start3A_723 = arith.constant 0 : i32
      %dma_start3A_724 = tpu.memref_slice %arg6[%dma_start3A_720, %dma_start3A_722, %dma_start3A_723] : memref<8x128x64xf32, #tpu.memory_space<vmem>> -> memref<1x128x64xf32, #tpu.memory_space<vmem>>
      %dma_start3A_725 = tpu.memref_squeeze %dma_start3A_724 : memref<1x128x64xf32, #tpu.memory_space<vmem>> -> memref<128x64xf32, #tpu.memory_space<vmem>>
      %dma_start3A_726 = arith.constant 0 : i32
      %dma_start3A_727 = tpu.memref_slice %arg4[%multiple_of3A_719, %dma_start3A_726] : memref<819200x64xf32, #tpu.memory_space<hbm>> -> memref<128x64xf32, #tpu.memory_space<hbm>>
      %dma_start3A_728 = tpu.memref_slice %arg9[%dma_start3A_721] : memref<8x!tpu.dma_semaphore, #tpu.memory_space<semaphore_mem>> -> memref<1x!tpu.dma_semaphore, #tpu.memory_space<semaphore_mem>>
      %dma_start3A_729 = tpu.memref_squeeze %dma_start3A_728 : memref<1x!tpu.dma_semaphore, #tpu.memory_space<semaphore_mem>> -> memref<!tpu.dma_semaphore, #tpu.memory_space<semaphore_mem>>
      %dma_start3A_730 = arith.constant 0 : i32
      %dma_start3A_731 = tpu.memref_slice %arg4[%multiple_of3A_719, %dma_start3A_730] : memref<819200x64xf32, #tpu.memory_space<hbm>> -> memref<128x64xf32, #tpu.memory_space<hbm>>
      %dma_start3A_732 = arith.constant 0 : i32
      %dma_start3A_733 = arith.constant 0 : i32
      %dma_start3A_734 = tpu.memref_slice %arg6[%dma_start3A_720, %dma_start3A_732, %dma_start3A_733] : memref<8x128x64xf32, #tpu.memory_space<vmem>> -> memref<1x128x64xf32, #tpu.memory_space<vmem>>
      %dma_start3A_735 = tpu.memref_squeeze %dma_start3A_734 : memref<1x128x64xf32, #tpu.memory_space<vmem>> -> memref<128x64xf32, #tpu.memory_space<vmem>>
      tpu.enqueue_dma source(%dma_start3A_735 : memref<128x64xf32, #tpu.memory_space<vmem>>) target(%dma_start3A_731 : memref<128x64xf32, #tpu.memory_space<hbm>>) target_semaphore(%dma_start3A_729 : memref<!tpu.dma_semaphore, #tpu.memory_space<semaphore_mem>>)
      %add3A_736 = arith.constant 5 : i32
      %add3A_737 = arith.addi %mul3A_540, %add3A_736 : i32
      %mul3A_738 = arith.constant 128 : i32
      %mul3A_739 = arith.muli %add3A_737, %mul3A_738 : i32
      %multiple_of3A_740 = tpu.assume_multiple %mul3A_739, 128 : i32
      %dma_wait3A_741 = arith.constant 5 : i32
      %dma_wait3A_742 = arith.constant 5 : i32
      %dma_wait3A_743 = arith.constant 0 : i32
      %dma_wait3A_744 = arith.constant 0 : i32
      %dma_wait3A_745 = tpu.memref_slice %arg6[%dma_wait3A_741, %dma_wait3A_743, %dma_wait3A_744] : memref<8x128x64xf32, #tpu.memory_space<vmem>> -> memref<1x128x64xf32, #tpu.memory_space<vmem>>
      %dma_wait3A_746 = tpu.memref_squeeze %dma_wait3A_745 : memref<1x128x64xf32, #tpu.memory_space<vmem>> -> memref<128x64xf32, #tpu.memory_space<vmem>>
      %dma_wait3A_747 = tpu.memref_slice %arg5[%multiple_of3A_740] : memref<25600xi32, #tpu.memory_space<vmem>> -> memref<128xi32, #tpu.memory_space<vmem>>
      %dma_wait3A_748 = arith.constant 0 : i32
      %dma_wait3A_749 = arith.constant 0 : i32
      %dma_wait3A_750 = tpu.memref_slice %arg3[%dma_wait3A_748, %dma_wait3A_749] : memref<1000000x64xf32, #tpu.memory_space<hbm>> -> memref<1000000x64xf32, #tpu.memory_space<hbm>>
      %dma_wait3A_751 = tpu.memref_slice %arg8[%dma_wait3A_742] : memref<8x!tpu.dma_semaphore, #tpu.memory_space<semaphore_mem>> -> memref<1x!tpu.dma_semaphore, #tpu.memory_space<semaphore_mem>>
      %dma_wait3A_752 = tpu.memref_squeeze %dma_wait3A_751 : memref<1x!tpu.dma_semaphore, #tpu.memory_space<semaphore_mem>> -> memref<!tpu.dma_semaphore, #tpu.memory_space<semaphore_mem>>
      tpu.wait_indirect_dma semaphore(%dma_wait3A_752 : memref<!tpu.dma_semaphore, #tpu.memory_space<semaphore_mem>>) src(%dma_wait3A_750 : memref<1000000x64xf32, #tpu.memory_space<hbm>>) dst(%dma_wait3A_746 : memref<128x64xf32, #tpu.memory_space<vmem>>)
      %add3A_753 = arith.constant 5 : i32
      %add3A_754 = arith.addi %mul3A_540, %add3A_753 : i32
      %mul3A_755 = arith.constant 128 : i32
      %mul3A_756 = arith.muli %add3A_754, %mul3A_755 : i32
      %add3A_757 = arith.addi %multiple_of3A, %mul3A_756 : i32
      %multiple_of3A_758 = tpu.assume_multiple %add3A_757, 128 : i32
      %dma_start3A_759 = arith.constant 5 : i32
      %dma_start3A_760 = arith.constant 5 : i32
      %dma_start3A_761 = arith.constant 0 : i32
      %dma_start3A_762 = arith.constant 0 : i32
      %dma_start3A_763 = tpu.memref_slice %arg6[%dma_start3A_759, %dma_start3A_761, %dma_start3A_762] : memref<8x128x64xf32, #tpu.memory_space<vmem>> -> memref<1x128x64xf32, #tpu.memory_space<vmem>>
      %dma_start3A_764 = tpu.memref_squeeze %dma_start3A_763 : memref<1x128x64xf32, #tpu.memory_space<vmem>> -> memref<128x64xf32, #tpu.memory_space<vmem>>
      %dma_start3A_765 = arith.constant 0 : i32
      %dma_start3A_766 = tpu.memref_slice %arg4[%multiple_of3A_758, %dma_start3A_765] : memref<819200x64xf32, #tpu.memory_space<hbm>> -> memref<128x64xf32, #tpu.memory_space<hbm>>
      %dma_start3A_767 = tpu.memref_slice %arg9[%dma_start3A_760] : memref<8x!tpu.dma_semaphore, #tpu.memory_space<semaphore_mem>> -> memref<1x!tpu.dma_semaphore, #tpu.memory_space<semaphore_mem>>
      %dma_start3A_768 = tpu.memref_squeeze %dma_start3A_767 : memref<1x!tpu.dma_semaphore, #tpu.memory_space<semaphore_mem>> -> memref<!tpu.dma_semaphore, #tpu.memory_space<semaphore_mem>>
      %dma_start3A_769 = arith.constant 0 : i32
      %dma_start3A_770 = tpu.memref_slice %arg4[%multiple_of3A_758, %dma_start3A_769] : memref<819200x64xf32, #tpu.memory_space<hbm>> -> memref<128x64xf32, #tpu.memory_space<hbm>>
      %dma_start3A_771 = arith.constant 0 : i32
      %dma_start3A_772 = arith.constant 0 : i32
      %dma_start3A_773 = tpu.memref_slice %arg6[%dma_start3A_759, %dma_start3A_771, %dma_start3A_772] : memref<8x128x64xf32, #tpu.memory_space<vmem>> -> memref<1x128x64xf32, #tpu.memory_space<vmem>>
      %dma_start3A_774 = tpu.memref_squeeze %dma_start3A_773 : memref<1x128x64xf32, #tpu.memory_space<vmem>> -> memref<128x64xf32, #tpu.memory_space<vmem>>
      tpu.enqueue_dma source(%dma_start3A_774 : memref<128x64xf32, #tpu.memory_space<vmem>>) target(%dma_start3A_770 : memref<128x64xf32, #tpu.memory_space<hbm>>) target_semaphore(%dma_start3A_768 : memref<!tpu.dma_semaphore, #tpu.memory_space<semaphore_mem>>)
      %add3A_775 = arith.constant 6 : i32
      %add3A_776 = arith.addi %mul3A_540, %add3A_775 : i32
      %mul3A_777 = arith.constant 128 : i32
      %mul3A_778 = arith.muli %add3A_776, %mul3A_777 : i32
      %multiple_of3A_779 = tpu.assume_multiple %mul3A_778, 128 : i32
      %dma_wait3A_780 = arith.constant 6 : i32
      %dma_wait3A_781 = arith.constant 6 : i32
      %dma_wait3A_782 = arith.constant 0 : i32
      %dma_wait3A_783 = arith.constant 0 : i32
      %dma_wait3A_784 = tpu.memref_slice %arg6[%dma_wait3A_780, %dma_wait3A_782, %dma_wait3A_783] : memref<8x128x64xf32, #tpu.memory_space<vmem>> -> memref<1x128x64xf32, #tpu.memory_space<vmem>>
      %dma_wait3A_785 = tpu.memref_squeeze %dma_wait3A_784 : memref<1x128x64xf32, #tpu.memory_space<vmem>> -> memref<128x64xf32, #tpu.memory_space<vmem>>
      %dma_wait3A_786 = tpu.memref_slice %arg5[%multiple_of3A_779] : memref<25600xi32, #tpu.memory_space<vmem>> -> memref<128xi32, #tpu.memory_space<vmem>>
      %dma_wait3A_787 = arith.constant 0 : i32
      %dma_wait3A_788 = arith.constant 0 : i32
      %dma_wait3A_789 = tpu.memref_slice %arg3[%dma_wait3A_787, %dma_wait3A_788] : memref<1000000x64xf32, #tpu.memory_space<hbm>> -> memref<1000000x64xf32, #tpu.memory_space<hbm>>
      %dma_wait3A_790 = tpu.memref_slice %arg8[%dma_wait3A_781] : memref<8x!tpu.dma_semaphore, #tpu.memory_space<semaphore_mem>> -> memref<1x!tpu.dma_semaphore, #tpu.memory_space<semaphore_mem>>
      %dma_wait3A_791 = tpu.memref_squeeze %dma_wait3A_790 : memref<1x!tpu.dma_semaphore, #tpu.memory_space<semaphore_mem>> -> memref<!tpu.dma_semaphore, #tpu.memory_space<semaphore_mem>>
      tpu.wait_indirect_dma semaphore(%dma_wait3A_791 : memref<!tpu.dma_semaphore, #tpu.memory_space<semaphore_mem>>) src(%dma_wait3A_789 : memref<1000000x64xf32, #tpu.memory_space<hbm>>) dst(%dma_wait3A_785 : memref<128x64xf32, #tpu.memory_space<vmem>>)
      %add3A_792 = arith.constant 6 : i32
      %add3A_793 = arith.addi %mul3A_540, %add3A_792 : i32
      %mul3A_794 = arith.constant 128 : i32
      %mul3A_795 = arith.muli %add3A_793, %mul3A_794 : i32
      %add3A_796 = arith.addi %multiple_of3A, %mul3A_795 : i32
      %multiple_of3A_797 = tpu.assume_multiple %add3A_796, 128 : i32
      %dma_start3A_798 = arith.constant 6 : i32
      %dma_start3A_799 = arith.constant 6 : i32
      %dma_start3A_800 = arith.constant 0 : i32
      %dma_start3A_801 = arith.constant 0 : i32
      %dma_start3A_802 = tpu.memref_slice %arg6[%dma_start3A_798, %dma_start3A_800, %dma_start3A_801] : memref<8x128x64xf32, #tpu.memory_space<vmem>> -> memref<1x128x64xf32, #tpu.memory_space<vmem>>
      %dma_start3A_803 = tpu.memref_squeeze %dma_start3A_802 : memref<1x128x64xf32, #tpu.memory_space<vmem>> -> memref<128x64xf32, #tpu.memory_space<vmem>>
      %dma_start3A_804 = arith.constant 0 : i32
      %dma_start3A_805 = tpu.memref_slice %arg4[%multiple_of3A_797, %dma_start3A_804] : memref<819200x64xf32, #tpu.memory_space<hbm>> -> memref<128x64xf32, #tpu.memory_space<hbm>>
      %dma_start3A_806 = tpu.memref_slice %arg9[%dma_start3A_799] : memref<8x!tpu.dma_semaphore, #tpu.memory_space<semaphore_mem>> -> memref<1x!tpu.dma_semaphore, #tpu.memory_space<semaphore_mem>>
      %dma_start3A_807 = tpu.memref_squeeze %dma_start3A_806 : memref<1x!tpu.dma_semaphore, #tpu.memory_space<semaphore_mem>> -> memref<!tpu.dma_semaphore, #tpu.memory_space<semaphore_mem>>
      %dma_start3A_808 = arith.constant 0 : i32
      %dma_start3A_809 = tpu.memref_slice %arg4[%multiple_of3A_797, %dma_start3A_808] : memref<819200x64xf32, #tpu.memory_space<hbm>> -> memref<128x64xf32, #tpu.memory_space<hbm>>
      %dma_start3A_810 = arith.constant 0 : i32
      %dma_start3A_811 = arith.constant 0 : i32
      %dma_start3A_812 = tpu.memref_slice %arg6[%dma_start3A_798, %dma_start3A_810, %dma_start3A_811] : memref<8x128x64xf32, #tpu.memory_space<vmem>> -> memref<1x128x64xf32, #tpu.memory_space<vmem>>
      %dma_start3A_813 = tpu.memref_squeeze %dma_start3A_812 : memref<1x128x64xf32, #tpu.memory_space<vmem>> -> memref<128x64xf32, #tpu.memory_space<vmem>>
      tpu.enqueue_dma source(%dma_start3A_813 : memref<128x64xf32, #tpu.memory_space<vmem>>) target(%dma_start3A_809 : memref<128x64xf32, #tpu.memory_space<hbm>>) target_semaphore(%dma_start3A_807 : memref<!tpu.dma_semaphore, #tpu.memory_space<semaphore_mem>>)
      %add3A_814 = arith.constant 7 : i32
      %add3A_815 = arith.addi %mul3A_540, %add3A_814 : i32
      %mul3A_816 = arith.constant 128 : i32
      %mul3A_817 = arith.muli %add3A_815, %mul3A_816 : i32
      %multiple_of3A_818 = tpu.assume_multiple %mul3A_817, 128 : i32
      %dma_wait3A_819 = arith.constant 7 : i32
      %dma_wait3A_820 = arith.constant 7 : i32
      %dma_wait3A_821 = arith.constant 0 : i32
      %dma_wait3A_822 = arith.constant 0 : i32
      %dma_wait3A_823 = tpu.memref_slice %arg6[%dma_wait3A_819, %dma_wait3A_821, %dma_wait3A_822] : memref<8x128x64xf32, #tpu.memory_space<vmem>> -> memref<1x128x64xf32, #tpu.memory_space<vmem>>
      %dma_wait3A_824 = tpu.memref_squeeze %dma_wait3A_823 : memref<1x128x64xf32, #tpu.memory_space<vmem>> -> memref<128x64xf32, #tpu.memory_space<vmem>>
      %dma_wait3A_825 = tpu.memref_slice %arg5[%multiple_of3A_818] : memref<25600xi32, #tpu.memory_space<vmem>> -> memref<128xi32, #tpu.memory_space<vmem>>
      %dma_wait3A_826 = arith.constant 0 : i32
      %dma_wait3A_827 = arith.constant 0 : i32
      %dma_wait3A_828 = tpu.memref_slice %arg3[%dma_wait3A_826, %dma_wait3A_827] : memref<1000000x64xf32, #tpu.memory_space<hbm>> -> memref<1000000x64xf32, #tpu.memory_space<hbm>>
      %dma_wait3A_829 = tpu.memref_slice %arg8[%dma_wait3A_820] : memref<8x!tpu.dma_semaphore, #tpu.memory_space<semaphore_mem>> -> memref<1x!tpu.dma_semaphore, #tpu.memory_space<semaphore_mem>>
      %dma_wait3A_830 = tpu.memref_squeeze %dma_wait3A_829 : memref<1x!tpu.dma_semaphore, #tpu.memory_space<semaphore_mem>> -> memref<!tpu.dma_semaphore, #tpu.memory_space<semaphore_mem>>
      tpu.wait_indirect_dma semaphore(%dma_wait3A_830 : memref<!tpu.dma_semaphore, #tpu.memory_space<semaphore_mem>>) src(%dma_wait3A_828 : memref<1000000x64xf32, #tpu.memory_space<hbm>>) dst(%dma_wait3A_824 : memref<128x64xf32, #tpu.memory_space<vmem>>)
      %add3A_831 = arith.constant 7 : i32
      %add3A_832 = arith.addi %mul3A_540, %add3A_831 : i32
      %mul3A_833 = arith.constant 128 : i32
      %mul3A_834 = arith.muli %add3A_832, %mul3A_833 : i32
      %add3A_835 = arith.addi %multiple_of3A, %mul3A_834 : i32
      %multiple_of3A_836 = tpu.assume_multiple %add3A_835, 128 : i32
      %dma_start3A_837 = arith.constant 7 : i32
      %dma_start3A_838 = arith.constant 7 : i32
      %dma_start3A_839 = arith.constant 0 : i32
      %dma_start3A_840 = arith.constant 0 : i32
      %dma_start3A_841 = tpu.memref_slice %arg6[%dma_start3A_837, %dma_start3A_839, %dma_start3A_840] : memref<8x128x64xf32, #tpu.memory_space<vmem>> -> memref<1x128x64xf32, #tpu.memory_space<vmem>>
      %dma_start3A_842 = tpu.memref_squeeze %dma_start3A_841 : memref<1x128x64xf32, #tpu.memory_space<vmem>> -> memref<128x64xf32, #tpu.memory_space<vmem>>
      %dma_start3A_843 = arith.constant 0 : i32
      %dma_start3A_844 = tpu.memref_slice %arg4[%multiple_of3A_836, %dma_start3A_843] : memref<819200x64xf32, #tpu.memory_space<hbm>> -> memref<128x64xf32, #tpu.memory_space<hbm>>
      %dma_start3A_845 = tpu.memref_slice %arg9[%dma_start3A_838] : memref<8x!tpu.dma_semaphore, #tpu.memory_space<semaphore_mem>> -> memref<1x!tpu.dma_semaphore, #tpu.memory_space<semaphore_mem>>
      %dma_start3A_846 = tpu.memref_squeeze %dma_start3A_845 : memref<1x!tpu.dma_semaphore, #tpu.memory_space<semaphore_mem>> -> memref<!tpu.dma_semaphore, #tpu.memory_space<semaphore_mem>>
      %dma_start3A_847 = arith.constant 0 : i32
      %dma_start3A_848 = tpu.memref_slice %arg4[%multiple_of3A_836, %dma_start3A_847] : memref<819200x64xf32, #tpu.memory_space<hbm>> -> memref<128x64xf32, #tpu.memory_space<hbm>>
      %dma_start3A_849 = arith.constant 0 : i32
      %dma_start3A_850 = arith.constant 0 : i32
      %dma_start3A_851 = tpu.memref_slice %arg6[%dma_start3A_837, %dma_start3A_849, %dma_start3A_850] : memref<8x128x64xf32, #tpu.memory_space<vmem>> -> memref<1x128x64xf32, #tpu.memory_space<vmem>>
      %dma_start3A_852 = tpu.memref_squeeze %dma_start3A_851 : memref<1x128x64xf32, #tpu.memory_space<vmem>> -> memref<128x64xf32, #tpu.memory_space<vmem>>
      tpu.enqueue_dma source(%dma_start3A_852 : memref<128x64xf32, #tpu.memory_space<vmem>>) target(%dma_start3A_848 : memref<128x64xf32, #tpu.memory_space<hbm>>) target_semaphore(%dma_start3A_846 : memref<!tpu.dma_semaphore, #tpu.memory_space<semaphore_mem>>)
      %add3A_853 = arith.constant 0 : i32
      %add3A_854 = arith.addi %mul3A_540, %add3A_853 : i32
      %mul3A_855 = arith.constant 128 : i32
      %mul3A_856 = arith.muli %add3A_854, %mul3A_855 : i32
      %add3A_857 = arith.addi %multiple_of3A, %mul3A_856 : i32
      %multiple_of3A_858 = tpu.assume_multiple %add3A_857, 128 : i32
      %dma_wait3A_859 = arith.constant 0 : i32
      %dma_wait3A_860 = arith.constant 0 : i32
      %dma_wait3A_861 = arith.constant 0 : i32
      %dma_wait3A_862 = arith.constant 0 : i32
      %dma_wait3A_863 = tpu.memref_slice %arg6[%dma_wait3A_859, %dma_wait3A_861, %dma_wait3A_862] : memref<8x128x64xf32, #tpu.memory_space<vmem>> -> memref<1x128x64xf32, #tpu.memory_space<vmem>>
      %dma_wait3A_864 = tpu.memref_squeeze %dma_wait3A_863 : memref<1x128x64xf32, #tpu.memory_space<vmem>> -> memref<128x64xf32, #tpu.memory_space<vmem>>
      %dma_wait3A_865 = arith.constant 0 : i32
      %dma_wait3A_866 = tpu.memref_slice %arg4[%multiple_of3A_858, %dma_wait3A_865] : memref<819200x64xf32, #tpu.memory_space<hbm>> -> memref<128x64xf32, #tpu.memory_space<hbm>>
      %dma_wait3A_867 = tpu.memref_slice %arg9[%dma_wait3A_860] : memref<8x!tpu.dma_semaphore, #tpu.memory_space<semaphore_mem>> -> memref<1x!tpu.dma_semaphore, #tpu.memory_space<semaphore_mem>>
      %dma_wait3A_868 = tpu.memref_squeeze %dma_wait3A_867 : memref<1x!tpu.dma_semaphore, #tpu.memory_space<semaphore_mem>> -> memref<!tpu.dma_semaphore, #tpu.memory_space<semaphore_mem>>
      %dma_wait3A_869 = arith.constant 0 : i32
      %dma_wait3A_870 = tpu.memref_slice %arg4[%multiple_of3A_858, %dma_wait3A_869] : memref<819200x64xf32, #tpu.memory_space<hbm>> -> memref<128x64xf32, #tpu.memory_space<hbm>>
      %dma_wait3A_871 = arith.constant 0 : i32
      %dma_wait3A_872 = arith.constant 0 : i32
      %dma_wait3A_873 = tpu.memref_slice %arg6[%dma_wait3A_859, %dma_wait3A_871, %dma_wait3A_872] : memref<8x128x64xf32, #tpu.memory_space<vmem>> -> memref<1x128x64xf32, #tpu.memory_space<vmem>>
      %dma_wait3A_874 = tpu.memref_squeeze %dma_wait3A_873 : memref<1x128x64xf32, #tpu.memory_space<vmem>> -> memref<128x64xf32, #tpu.memory_space<vmem>>
      tpu.wait_dma2 semaphore(%dma_wait3A_868 : memref<!tpu.dma_semaphore, #tpu.memory_space<semaphore_mem>>) src(%dma_wait3A_874 : memref<128x64xf32, #tpu.memory_space<vmem>>) dst(%dma_wait3A_870 : memref<128x64xf32, #tpu.memory_space<hbm>>)
      %add3A_875 = arith.constant 0 : i32
      %add3A_876 = arith.addi %mul3A_540, %add3A_875 : i32
      %add3A_877 = arith.constant 8 : i32
      %add3A_878 = arith.addi %add3A_876, %add3A_877 : i32
      %mul3A_879 = arith.constant 128 : i32
      %mul3A_880 = arith.muli %add3A_878, %mul3A_879 : i32
      %multiple_of3A_881 = tpu.assume_multiple %mul3A_880, 128 : i32
      %dma_start3A_882 = arith.constant 0 : i32
      %dma_start3A_883 = arith.constant 0 : i32
      %dma_start3A_884 = arith.constant 0 : i32
      %dma_start3A_885 = arith.constant 0 : i32
      %dma_start3A_886 = tpu.memref_slice %arg6[%dma_start3A_882, %dma_start3A_884, %dma_start3A_885] : memref<8x128x64xf32, #tpu.memory_space<vmem>> -> memref<1x128x64xf32, #tpu.memory_space<vmem>>
      %dma_start3A_887 = tpu.memref_squeeze %dma_start3A_886 : memref<1x128x64xf32, #tpu.memory_space<vmem>> -> memref<128x64xf32, #tpu.memory_space<vmem>>
      %dma_start3A_888 = tpu.memref_slice %arg5[%multiple_of3A_881] : memref<25600xi32, #tpu.memory_space<vmem>> -> memref<128xi32, #tpu.memory_space<vmem>>
      %dma_start3A_889 = arith.constant 0 : i32
      %dma_start3A_890 = arith.constant 0 : i32
      %dma_start3A_891 = tpu.memref_slice %arg3[%dma_start3A_889, %dma_start3A_890] : memref<1000000x64xf32, #tpu.memory_space<hbm>> -> memref<1000000x64xf32, #tpu.memory_space<hbm>>
      %dma_start3A_892 = tpu.memref_slice %arg8[%dma_start3A_883] : memref<8x!tpu.dma_semaphore, #tpu.memory_space<semaphore_mem>> -> memref<1x!tpu.dma_semaphore, #tpu.memory_space<semaphore_mem>>
      %dma_start3A_893 = tpu.memref_squeeze %dma_start3A_892 : memref<1x!tpu.dma_semaphore, #tpu.memory_space<semaphore_mem>> -> memref<!tpu.dma_semaphore, #tpu.memory_space<semaphore_mem>>
      tpu.enqueue_indirect_dma source(%dma_start3A_891 : memref<1000000x64xf32, #tpu.memory_space<hbm>>) target(%dma_start3A_887 : memref<128x64xf32, #tpu.memory_space<vmem>>) offsets(%dma_start3A_888 : memref<128xi32, #tpu.memory_space<vmem>>) semaphore(%dma_start3A_893 : memref<!tpu.dma_semaphore, #tpu.memory_space<semaphore_mem>>)
      %add3A_894 = arith.constant 1 : i32
      %add3A_895 = arith.addi %mul3A_540, %add3A_894 : i32
      %mul3A_896 = arith.constant 128 : i32
      %mul3A_897 = arith.muli %add3A_895, %mul3A_896 : i32
      %add3A_898 = arith.addi %multiple_of3A, %mul3A_897 : i32
      %multiple_of3A_899 = tpu.assume_multiple %add3A_898, 128 : i32
      %dma_wait3A_900 = arith.constant 1 : i32
      %dma_wait3A_901 = arith.constant 1 : i32
      %dma_wait3A_902 = arith.constant 0 : i32
      %dma_wait3A_903 = arith.constant 0 : i32
      %dma_wait3A_904 = tpu.memref_slice %arg6[%dma_wait3A_900, %dma_wait3A_902, %dma_wait3A_903] : memref<8x128x64xf32, #tpu.memory_space<vmem>> -> memref<1x128x64xf32, #tpu.memory_space<vmem>>
      %dma_wait3A_905 = tpu.memref_squeeze %dma_wait3A_904 : memref<1x128x64xf32, #tpu.memory_space<vmem>> -> memref<128x64xf32, #tpu.memory_space<vmem>>
      %dma_wait3A_906 = arith.constant 0 : i32
      %dma_wait3A_907 = tpu.memref_slice %arg4[%multiple_of3A_899, %dma_wait3A_906] : memref<819200x64xf32, #tpu.memory_space<hbm>> -> memref<128x64xf32, #tpu.memory_space<hbm>>
      %dma_wait3A_908 = tpu.memref_slice %arg9[%dma_wait3A_901] : memref<8x!tpu.dma_semaphore, #tpu.memory_space<semaphore_mem>> -> memref<1x!tpu.dma_semaphore, #tpu.memory_space<semaphore_mem>>
      %dma_wait3A_909 = tpu.memref_squeeze %dma_wait3A_908 : memref<1x!tpu.dma_semaphore, #tpu.memory_space<semaphore_mem>> -> memref<!tpu.dma_semaphore, #tpu.memory_space<semaphore_mem>>
      %dma_wait3A_910 = arith.constant 0 : i32
      %dma_wait3A_911 = tpu.memref_slice %arg4[%multiple_of3A_899, %dma_wait3A_910] : memref<819200x64xf32, #tpu.memory_space<hbm>> -> memref<128x64xf32, #tpu.memory_space<hbm>>
      %dma_wait3A_912 = arith.constant 0 : i32
      %dma_wait3A_913 = arith.constant 0 : i32
      %dma_wait3A_914 = tpu.memref_slice %arg6[%dma_wait3A_900, %dma_wait3A_912, %dma_wait3A_913] : memref<8x128x64xf32, #tpu.memory_space<vmem>> -> memref<1x128x64xf32, #tpu.memory_space<vmem>>
      %dma_wait3A_915 = tpu.memref_squeeze %dma_wait3A_914 : memref<1x128x64xf32, #tpu.memory_space<vmem>> -> memref<128x64xf32, #tpu.memory_space<vmem>>
      tpu.wait_dma2 semaphore(%dma_wait3A_909 : memref<!tpu.dma_semaphore, #tpu.memory_space<semaphore_mem>>) src(%dma_wait3A_915 : memref<128x64xf32, #tpu.memory_space<vmem>>) dst(%dma_wait3A_911 : memref<128x64xf32, #tpu.memory_space<hbm>>)
      %add3A_916 = arith.constant 1 : i32
      %add3A_917 = arith.addi %mul3A_540, %add3A_916 : i32
      %add3A_918 = arith.constant 8 : i32
      %add3A_919 = arith.addi %add3A_917, %add3A_918 : i32
      %mul3A_920 = arith.constant 128 : i32
      %mul3A_921 = arith.muli %add3A_919, %mul3A_920 : i32
      %multiple_of3A_922 = tpu.assume_multiple %mul3A_921, 128 : i32
      %dma_start3A_923 = arith.constant 1 : i32
      %dma_start3A_924 = arith.constant 1 : i32
      %dma_start3A_925 = arith.constant 0 : i32
      %dma_start3A_926 = arith.constant 0 : i32
      %dma_start3A_927 = tpu.memref_slice %arg6[%dma_start3A_923, %dma_start3A_925, %dma_start3A_926] : memref<8x128x64xf32, #tpu.memory_space<vmem>> -> memref<1x128x64xf32, #tpu.memory_space<vmem>>
      %dma_start3A_928 = tpu.memref_squeeze %dma_start3A_927 : memref<1x128x64xf32, #tpu.memory_space<vmem>> -> memref<128x64xf32, #tpu.memory_space<vmem>>
      %dma_start3A_929 = tpu.memref_slice %arg5[%multiple_of3A_922] : memref<25600xi32, #tpu.memory_space<vmem>> -> memref<128xi32, #tpu.memory_space<vmem>>
      %dma_start3A_930 = arith.constant 0 : i32
      %dma_start3A_931 = arith.constant 0 : i32
      %dma_start3A_932 = tpu.memref_slice %arg3[%dma_start3A_930, %dma_start3A_931] : memref<1000000x64xf32, #tpu.memory_space<hbm>> -> memref<1000000x64xf32, #tpu.memory_space<hbm>>
      %dma_start3A_933 = tpu.memref_slice %arg8[%dma_start3A_924] : memref<8x!tpu.dma_semaphore, #tpu.memory_space<semaphore_mem>> -> memref<1x!tpu.dma_semaphore, #tpu.memory_space<semaphore_mem>>
      %dma_start3A_934 = tpu.memref_squeeze %dma_start3A_933 : memref<1x!tpu.dma_semaphore, #tpu.memory_space<semaphore_mem>> -> memref<!tpu.dma_semaphore, #tpu.memory_space<semaphore_mem>>
      tpu.enqueue_indirect_dma source(%dma_start3A_932 : memref<1000000x64xf32, #tpu.memory_space<hbm>>) target(%dma_start3A_928 : memref<128x64xf32, #tpu.memory_space<vmem>>) offsets(%dma_start3A_929 : memref<128xi32, #tpu.memory_space<vmem>>) semaphore(%dma_start3A_934 : memref<!tpu.dma_semaphore, #tpu.memory_space<semaphore_mem>>)
      %add3A_935 = arith.constant 2 : i32
      %add3A_936 = arith.addi %mul3A_540, %add3A_935 : i32
      %mul3A_937 = arith.constant 128 : i32
      %mul3A_938 = arith.muli %add3A_936, %mul3A_937 : i32
      %add3A_939 = arith.addi %multiple_of3A, %mul3A_938 : i32
      %multiple_of3A_940 = tpu.assume_multiple %add3A_939, 128 : i32
      %dma_wait3A_941 = arith.constant 2 : i32
      %dma_wait3A_942 = arith.constant 2 : i32
      %dma_wait3A_943 = arith.constant 0 : i32
      %dma_wait3A_944 = arith.constant 0 : i32
      %dma_wait3A_945 = tpu.memref_slice %arg6[%dma_wait3A_941, %dma_wait3A_943, %dma_wait3A_944] : memref<8x128x64xf32, #tpu.memory_space<vmem>> -> memref<1x128x64xf32, #tpu.memory_space<vmem>>
      %dma_wait3A_946 = tpu.memref_squeeze %dma_wait3A_945 : memref<1x128x64xf32, #tpu.memory_space<vmem>> -> memref<128x64xf32, #tpu.memory_space<vmem>>
      %dma_wait3A_947 = arith.constant 0 : i32
      %dma_wait3A_948 = tpu.memref_slice %arg4[%multiple_of3A_940, %dma_wait3A_947] : memref<819200x64xf32, #tpu.memory_space<hbm>> -> memref<128x64xf32, #tpu.memory_space<hbm>>
      %dma_wait3A_949 = tpu.memref_slice %arg9[%dma_wait3A_942] : memref<8x!tpu.dma_semaphore, #tpu.memory_space<semaphore_mem>> -> memref<1x!tpu.dma_semaphore, #tpu.memory_space<semaphore_mem>>
      %dma_wait3A_950 = tpu.memref_squeeze %dma_wait3A_949 : memref<1x!tpu.dma_semaphore, #tpu.memory_space<semaphore_mem>> -> memref<!tpu.dma_semaphore, #tpu.memory_space<semaphore_mem>>
      %dma_wait3A_951 = arith.constant 0 : i32
      %dma_wait3A_952 = tpu.memref_slice %arg4[%multiple_of3A_940, %dma_wait3A_951] : memref<819200x64xf32, #tpu.memory_space<hbm>> -> memref<128x64xf32, #tpu.memory_space<hbm>>
      %dma_wait3A_953 = arith.constant 0 : i32
      %dma_wait3A_954 = arith.constant 0 : i32
      %dma_wait3A_955 = tpu.memref_slice %arg6[%dma_wait3A_941, %dma_wait3A_953, %dma_wait3A_954] : memref<8x128x64xf32, #tpu.memory_space<vmem>> -> memref<1x128x64xf32, #tpu.memory_space<vmem>>
      %dma_wait3A_956 = tpu.memref_squeeze %dma_wait3A_955 : memref<1x128x64xf32, #tpu.memory_space<vmem>> -> memref<128x64xf32, #tpu.memory_space<vmem>>
      tpu.wait_dma2 semaphore(%dma_wait3A_950 : memref<!tpu.dma_semaphore, #tpu.memory_space<semaphore_mem>>) src(%dma_wait3A_956 : memref<128x64xf32, #tpu.memory_space<vmem>>) dst(%dma_wait3A_952 : memref<128x64xf32, #tpu.memory_space<hbm>>)
      %add3A_957 = arith.constant 2 : i32
      %add3A_958 = arith.addi %mul3A_540, %add3A_957 : i32
      %add3A_959 = arith.constant 8 : i32
      %add3A_960 = arith.addi %add3A_958, %add3A_959 : i32
      %mul3A_961 = arith.constant 128 : i32
      %mul3A_962 = arith.muli %add3A_960, %mul3A_961 : i32
      %multiple_of3A_963 = tpu.assume_multiple %mul3A_962, 128 : i32
      %dma_start3A_964 = arith.constant 2 : i32
      %dma_start3A_965 = arith.constant 2 : i32
      %dma_start3A_966 = arith.constant 0 : i32
      %dma_start3A_967 = arith.constant 0 : i32
      %dma_start3A_968 = tpu.memref_slice %arg6[%dma_start3A_964, %dma_start3A_966, %dma_start3A_967] : memref<8x128x64xf32, #tpu.memory_space<vmem>> -> memref<1x128x64xf32, #tpu.memory_space<vmem>>
      %dma_start3A_969 = tpu.memref_squeeze %dma_start3A_968 : memref<1x128x64xf32, #tpu.memory_space<vmem>> -> memref<128x64xf32, #tpu.memory_space<vmem>>
      %dma_start3A_970 = tpu.memref_slice %arg5[%multiple_of3A_963] : memref<25600xi32, #tpu.memory_space<vmem>> -> memref<128xi32, #tpu.memory_space<vmem>>
      %dma_start3A_971 = arith.constant 0 : i32
      %dma_start3A_972 = arith.constant 0 : i32
      %dma_start3A_973 = tpu.memref_slice %arg3[%dma_start3A_971, %dma_start3A_972] : memref<1000000x64xf32, #tpu.memory_space<hbm>> -> memref<1000000x64xf32, #tpu.memory_space<hbm>>
      %dma_start3A_974 = tpu.memref_slice %arg8[%dma_start3A_965] : memref<8x!tpu.dma_semaphore, #tpu.memory_space<semaphore_mem>> -> memref<1x!tpu.dma_semaphore, #tpu.memory_space<semaphore_mem>>
      %dma_start3A_975 = tpu.memref_squeeze %dma_start3A_974 : memref<1x!tpu.dma_semaphore, #tpu.memory_space<semaphore_mem>> -> memref<!tpu.dma_semaphore, #tpu.memory_space<semaphore_mem>>
      tpu.enqueue_indirect_dma source(%dma_start3A_973 : memref<1000000x64xf32, #tpu.memory_space<hbm>>) target(%dma_start3A_969 : memref<128x64xf32, #tpu.memory_space<vmem>>) offsets(%dma_start3A_970 : memref<128xi32, #tpu.memory_space<vmem>>) semaphore(%dma_start3A_975 : memref<!tpu.dma_semaphore, #tpu.memory_space<semaphore_mem>>)
      %add3A_976 = arith.constant 3 : i32
      %add3A_977 = arith.addi %mul3A_540, %add3A_976 : i32
      %mul3A_978 = arith.constant 128 : i32
      %mul3A_979 = arith.muli %add3A_977, %mul3A_978 : i32
      %add3A_980 = arith.addi %multiple_of3A, %mul3A_979 : i32
      %multiple_of3A_981 = tpu.assume_multiple %add3A_980, 128 : i32
      %dma_wait3A_982 = arith.constant 3 : i32
      %dma_wait3A_983 = arith.constant 3 : i32
      %dma_wait3A_984 = arith.constant 0 : i32
      %dma_wait3A_985 = arith.constant 0 : i32
      %dma_wait3A_986 = tpu.memref_slice %arg6[%dma_wait3A_982, %dma_wait3A_984, %dma_wait3A_985] : memref<8x128x64xf32, #tpu.memory_space<vmem>> -> memref<1x128x64xf32, #tpu.memory_space<vmem>>
      %dma_wait3A_987 = tpu.memref_squeeze %dma_wait3A_986 : memref<1x128x64xf32, #tpu.memory_space<vmem>> -> memref<128x64xf32, #tpu.memory_space<vmem>>
      %dma_wait3A_988 = arith.constant 0 : i32
      %dma_wait3A_989 = tpu.memref_slice %arg4[%multiple_of3A_981, %dma_wait3A_988] : memref<819200x64xf32, #tpu.memory_space<hbm>> -> memref<128x64xf32, #tpu.memory_space<hbm>>
      %dma_wait3A_990 = tpu.memref_slice %arg9[%dma_wait3A_983] : memref<8x!tpu.dma_semaphore, #tpu.memory_space<semaphore_mem>> -> memref<1x!tpu.dma_semaphore, #tpu.memory_space<semaphore_mem>>
      %dma_wait3A_991 = tpu.memref_squeeze %dma_wait3A_990 : memref<1x!tpu.dma_semaphore, #tpu.memory_space<semaphore_mem>> -> memref<!tpu.dma_semaphore, #tpu.memory_space<semaphore_mem>>
      %dma_wait3A_992 = arith.constant 0 : i32
      %dma_wait3A_993 = tpu.memref_slice %arg4[%multiple_of3A_981, %dma_wait3A_992] : memref<819200x64xf32, #tpu.memory_space<hbm>> -> memref<128x64xf32, #tpu.memory_space<hbm>>
      %dma_wait3A_994 = arith.constant 0 : i32
      %dma_wait3A_995 = arith.constant 0 : i32
      %dma_wait3A_996 = tpu.memref_slice %arg6[%dma_wait3A_982, %dma_wait3A_994, %dma_wait3A_995] : memref<8x128x64xf32, #tpu.memory_space<vmem>> -> memref<1x128x64xf32, #tpu.memory_space<vmem>>
      %dma_wait3A_997 = tpu.memref_squeeze %dma_wait3A_996 : memref<1x128x64xf32, #tpu.memory_space<vmem>> -> memref<128x64xf32, #tpu.memory_space<vmem>>
      tpu.wait_dma2 semaphore(%dma_wait3A_991 : memref<!tpu.dma_semaphore, #tpu.memory_space<semaphore_mem>>) src(%dma_wait3A_997 : memref<128x64xf32, #tpu.memory_space<vmem>>) dst(%dma_wait3A_993 : memref<128x64xf32, #tpu.memory_space<hbm>>)
      %add3A_998 = arith.constant 3 : i32
      %add3A_999 = arith.addi %mul3A_540, %add3A_998 : i32
      %add3A_1000 = arith.constant 8 : i32
      %add3A_1001 = arith.addi %add3A_999, %add3A_1000 : i32
      %mul3A_1002 = arith.constant 128 : i32
      %mul3A_1003 = arith.muli %add3A_1001, %mul3A_1002 : i32
      %multiple_of3A_1004 = tpu.assume_multiple %mul3A_1003, 128 : i32
      %dma_start3A_1005 = arith.constant 3 : i32
      %dma_start3A_1006 = arith.constant 3 : i32
      %dma_start3A_1007 = arith.constant 0 : i32
      %dma_start3A_1008 = arith.constant 0 : i32
      %dma_start3A_1009 = tpu.memref_slice %arg6[%dma_start3A_1005, %dma_start3A_1007, %dma_start3A_1008] : memref<8x128x64xf32, #tpu.memory_space<vmem>> -> memref<1x128x64xf32, #tpu.memory_space<vmem>>
      %dma_start3A_1010 = tpu.memref_squeeze %dma_start3A_1009 : memref<1x128x64xf32, #tpu.memory_space<vmem>> -> memref<128x64xf32, #tpu.memory_space<vmem>>
      %dma_start3A_1011 = tpu.memref_slice %arg5[%multiple_of3A_1004] : memref<25600xi32, #tpu.memory_space<vmem>> -> memref<128xi32, #tpu.memory_space<vmem>>
      %dma_start3A_1012 = arith.constant 0 : i32
      %dma_start3A_1013 = arith.constant 0 : i32
      %dma_start3A_1014 = tpu.memref_slice %arg3[%dma_start3A_1012, %dma_start3A_1013] : memref<1000000x64xf32, #tpu.memory_space<hbm>> -> memref<1000000x64xf32, #tpu.memory_space<hbm>>
      %dma_start3A_1015 = tpu.memref_slice %arg8[%dma_start3A_1006] : memref<8x!tpu.dma_semaphore, #tpu.memory_space<semaphore_mem>> -> memref<1x!tpu.dma_semaphore, #tpu.memory_space<semaphore_mem>>
      %dma_start3A_1016 = tpu.memref_squeeze %dma_start3A_1015 : memref<1x!tpu.dma_semaphore, #tpu.memory_space<semaphore_mem>> -> memref<!tpu.dma_semaphore, #tpu.memory_space<semaphore_mem>>
      tpu.enqueue_indirect_dma source(%dma_start3A_1014 : memref<1000000x64xf32, #tpu.memory_space<hbm>>) target(%dma_start3A_1010 : memref<128x64xf32, #tpu.memory_space<vmem>>) offsets(%dma_start3A_1011 : memref<128xi32, #tpu.memory_space<vmem>>) semaphore(%dma_start3A_1016 : memref<!tpu.dma_semaphore, #tpu.memory_space<semaphore_mem>>)
      %add3A_1017 = arith.constant 4 : i32
      %add3A_1018 = arith.addi %mul3A_540, %add3A_1017 : i32
      %mul3A_1019 = arith.constant 128 : i32
      %mul3A_1020 = arith.muli %add3A_1018, %mul3A_1019 : i32
      %add3A_1021 = arith.addi %multiple_of3A, %mul3A_1020 : i32
      %multiple_of3A_1022 = tpu.assume_multiple %add3A_1021, 128 : i32
      %dma_wait3A_1023 = arith.constant 4 : i32
      %dma_wait3A_1024 = arith.constant 4 : i32
      %dma_wait3A_1025 = arith.constant 0 : i32
      %dma_wait3A_1026 = arith.constant 0 : i32
      %dma_wait3A_1027 = tpu.memref_slice %arg6[%dma_wait3A_1023, %dma_wait3A_1025, %dma_wait3A_1026] : memref<8x128x64xf32, #tpu.memory_space<vmem>> -> memref<1x128x64xf32, #tpu.memory_space<vmem>>
      %dma_wait3A_1028 = tpu.memref_squeeze %dma_wait3A_1027 : memref<1x128x64xf32, #tpu.memory_space<vmem>> -> memref<128x64xf32, #tpu.memory_space<vmem>>
      %dma_wait3A_1029 = arith.constant 0 : i32
      %dma_wait3A_1030 = tpu.memref_slice %arg4[%multiple_of3A_1022, %dma_wait3A_1029] : memref<819200x64xf32, #tpu.memory_space<hbm>> -> memref<128x64xf32, #tpu.memory_space<hbm>>
      %dma_wait3A_1031 = tpu.memref_slice %arg9[%dma_wait3A_1024] : memref<8x!tpu.dma_semaphore, #tpu.memory_space<semaphore_mem>> -> memref<1x!tpu.dma_semaphore, #tpu.memory_space<semaphore_mem>>
      %dma_wait3A_1032 = tpu.memref_squeeze %dma_wait3A_1031 : memref<1x!tpu.dma_semaphore, #tpu.memory_space<semaphore_mem>> -> memref<!tpu.dma_semaphore, #tpu.memory_space<semaphore_mem>>
      %dma_wait3A_1033 = arith.constant 0 : i32
      %dma_wait3A_1034 = tpu.memref_slice %arg4[%multiple_of3A_1022, %dma_wait3A_1033] : memref<819200x64xf32, #tpu.memory_space<hbm>> -> memref<128x64xf32, #tpu.memory_space<hbm>>
      %dma_wait3A_1035 = arith.constant 0 : i32
      %dma_wait3A_1036 = arith.constant 0 : i32
      %dma_wait3A_1037 = tpu.memref_slice %arg6[%dma_wait3A_1023, %dma_wait3A_1035, %dma_wait3A_1036] : memref<8x128x64xf32, #tpu.memory_space<vmem>> -> memref<1x128x64xf32, #tpu.memory_space<vmem>>
      %dma_wait3A_1038 = tpu.memref_squeeze %dma_wait3A_1037 : memref<1x128x64xf32, #tpu.memory_space<vmem>> -> memref<128x64xf32, #tpu.memory_space<vmem>>
      tpu.wait_dma2 semaphore(%dma_wait3A_1032 : memref<!tpu.dma_semaphore, #tpu.memory_space<semaphore_mem>>) src(%dma_wait3A_1038 : memref<128x64xf32, #tpu.memory_space<vmem>>) dst(%dma_wait3A_1034 : memref<128x64xf32, #tpu.memory_space<hbm>>)
      %add3A_1039 = arith.constant 4 : i32
      %add3A_1040 = arith.addi %mul3A_540, %add3A_1039 : i32
      %add3A_1041 = arith.constant 8 : i32
      %add3A_1042 = arith.addi %add3A_1040, %add3A_1041 : i32
      %mul3A_1043 = arith.constant 128 : i32
      %mul3A_1044 = arith.muli %add3A_1042, %mul3A_1043 : i32
      %multiple_of3A_1045 = tpu.assume_multiple %mul3A_1044, 128 : i32
      %dma_start3A_1046 = arith.constant 4 : i32
      %dma_start3A_1047 = arith.constant 4 : i32
      %dma_start3A_1048 = arith.constant 0 : i32
      %dma_start3A_1049 = arith.constant 0 : i32
      %dma_start3A_1050 = tpu.memref_slice %arg6[%dma_start3A_1046, %dma_start3A_1048, %dma_start3A_1049] : memref<8x128x64xf32, #tpu.memory_space<vmem>> -> memref<1x128x64xf32, #tpu.memory_space<vmem>>
      %dma_start3A_1051 = tpu.memref_squeeze %dma_start3A_1050 : memref<1x128x64xf32, #tpu.memory_space<vmem>> -> memref<128x64xf32, #tpu.memory_space<vmem>>
      %dma_start3A_1052 = tpu.memref_slice %arg5[%multiple_of3A_1045] : memref<25600xi32, #tpu.memory_space<vmem>> -> memref<128xi32, #tpu.memory_space<vmem>>
      %dma_start3A_1053 = arith.constant 0 : i32
      %dma_start3A_1054 = arith.constant 0 : i32
      %dma_start3A_1055 = tpu.memref_slice %arg3[%dma_start3A_1053, %dma_start3A_1054] : memref<1000000x64xf32, #tpu.memory_space<hbm>> -> memref<1000000x64xf32, #tpu.memory_space<hbm>>
      %dma_start3A_1056 = tpu.memref_slice %arg8[%dma_start3A_1047] : memref<8x!tpu.dma_semaphore, #tpu.memory_space<semaphore_mem>> -> memref<1x!tpu.dma_semaphore, #tpu.memory_space<semaphore_mem>>
      %dma_start3A_1057 = tpu.memref_squeeze %dma_start3A_1056 : memref<1x!tpu.dma_semaphore, #tpu.memory_space<semaphore_mem>> -> memref<!tpu.dma_semaphore, #tpu.memory_space<semaphore_mem>>
      tpu.enqueue_indirect_dma source(%dma_start3A_1055 : memref<1000000x64xf32, #tpu.memory_space<hbm>>) target(%dma_start3A_1051 : memref<128x64xf32, #tpu.memory_space<vmem>>) offsets(%dma_start3A_1052 : memref<128xi32, #tpu.memory_space<vmem>>) semaphore(%dma_start3A_1057 : memref<!tpu.dma_semaphore, #tpu.memory_space<semaphore_mem>>)
      %add3A_1058 = arith.constant 5 : i32
      %add3A_1059 = arith.addi %mul3A_540, %add3A_1058 : i32
      %mul3A_1060 = arith.constant 128 : i32
      %mul3A_1061 = arith.muli %add3A_1059, %mul3A_1060 : i32
      %add3A_1062 = arith.addi %multiple_of3A, %mul3A_1061 : i32
      %multiple_of3A_1063 = tpu.assume_multiple %add3A_1062, 128 : i32
      %dma_wait3A_1064 = arith.constant 5 : i32
      %dma_wait3A_1065 = arith.constant 5 : i32
      %dma_wait3A_1066 = arith.constant 0 : i32
      %dma_wait3A_1067 = arith.constant 0 : i32
      %dma_wait3A_1068 = tpu.memref_slice %arg6[%dma_wait3A_1064, %dma_wait3A_1066, %dma_wait3A_1067] : memref<8x128x64xf32, #tpu.memory_space<vmem>> -> memref<1x128x64xf32, #tpu.memory_space<vmem>>
      %dma_wait3A_1069 = tpu.memref_squeeze %dma_wait3A_1068 : memref<1x128x64xf32, #tpu.memory_space<vmem>> -> memref<128x64xf32, #tpu.memory_space<vmem>>
      %dma_wait3A_1070 = arith.constant 0 : i32
      %dma_wait3A_1071 = tpu.memref_slice %arg4[%multiple_of3A_1063, %dma_wait3A_1070] : memref<819200x64xf32, #tpu.memory_space<hbm>> -> memref<128x64xf32, #tpu.memory_space<hbm>>
      %dma_wait3A_1072 = tpu.memref_slice %arg9[%dma_wait3A_1065] : memref<8x!tpu.dma_semaphore, #tpu.memory_space<semaphore_mem>> -> memref<1x!tpu.dma_semaphore, #tpu.memory_space<semaphore_mem>>
      %dma_wait3A_1073 = tpu.memref_squeeze %dma_wait3A_1072 : memref<1x!tpu.dma_semaphore, #tpu.memory_space<semaphore_mem>> -> memref<!tpu.dma_semaphore, #tpu.memory_space<semaphore_mem>>
      %dma_wait3A_1074 = arith.constant 0 : i32
      %dma_wait3A_1075 = tpu.memref_slice %arg4[%multiple_of3A_1063, %dma_wait3A_1074] : memref<819200x64xf32, #tpu.memory_space<hbm>> -> memref<128x64xf32, #tpu.memory_space<hbm>>
      %dma_wait3A_1076 = arith.constant 0 : i32
      %dma_wait3A_1077 = arith.constant 0 : i32
      %dma_wait3A_1078 = tpu.memref_slice %arg6[%dma_wait3A_1064, %dma_wait3A_1076, %dma_wait3A_1077] : memref<8x128x64xf32, #tpu.memory_space<vmem>> -> memref<1x128x64xf32, #tpu.memory_space<vmem>>
      %dma_wait3A_1079 = tpu.memref_squeeze %dma_wait3A_1078 : memref<1x128x64xf32, #tpu.memory_space<vmem>> -> memref<128x64xf32, #tpu.memory_space<vmem>>
      tpu.wait_dma2 semaphore(%dma_wait3A_1073 : memref<!tpu.dma_semaphore, #tpu.memory_space<semaphore_mem>>) src(%dma_wait3A_1079 : memref<128x64xf32, #tpu.memory_space<vmem>>) dst(%dma_wait3A_1075 : memref<128x64xf32, #tpu.memory_space<hbm>>)
      %add3A_1080 = arith.constant 5 : i32
      %add3A_1081 = arith.addi %mul3A_540, %add3A_1080 : i32
      %add3A_1082 = arith.constant 8 : i32
      %add3A_1083 = arith.addi %add3A_1081, %add3A_1082 : i32
      %mul3A_1084 = arith.constant 128 : i32
      %mul3A_1085 = arith.muli %add3A_1083, %mul3A_1084 : i32
      %multiple_of3A_1086 = tpu.assume_multiple %mul3A_1085, 128 : i32
      %dma_start3A_1087 = arith.constant 5 : i32
      %dma_start3A_1088 = arith.constant 5 : i32
      %dma_start3A_1089 = arith.constant 0 : i32
      %dma_start3A_1090 = arith.constant 0 : i32
      %dma_start3A_1091 = tpu.memref_slice %arg6[%dma_start3A_1087, %dma_start3A_1089, %dma_start3A_1090] : memref<8x128x64xf32, #tpu.memory_space<vmem>> -> memref<1x128x64xf32, #tpu.memory_space<vmem>>
      %dma_start3A_1092 = tpu.memref_squeeze %dma_start3A_1091 : memref<1x128x64xf32, #tpu.memory_space<vmem>> -> memref<128x64xf32, #tpu.memory_space<vmem>>
      %dma_start3A_1093 = tpu.memref_slice %arg5[%multiple_of3A_1086] : memref<25600xi32, #tpu.memory_space<vmem>> -> memref<128xi32, #tpu.memory_space<vmem>>
      %dma_start3A_1094 = arith.constant 0 : i32
      %dma_start3A_1095 = arith.constant 0 : i32
      %dma_start3A_1096 = tpu.memref_slice %arg3[%dma_start3A_1094, %dma_start3A_1095] : memref<1000000x64xf32, #tpu.memory_space<hbm>> -> memref<1000000x64xf32, #tpu.memory_space<hbm>>
      %dma_start3A_1097 = tpu.memref_slice %arg8[%dma_start3A_1088] : memref<8x!tpu.dma_semaphore, #tpu.memory_space<semaphore_mem>> -> memref<1x!tpu.dma_semaphore, #tpu.memory_space<semaphore_mem>>
      %dma_start3A_1098 = tpu.memref_squeeze %dma_start3A_1097 : memref<1x!tpu.dma_semaphore, #tpu.memory_space<semaphore_mem>> -> memref<!tpu.dma_semaphore, #tpu.memory_space<semaphore_mem>>
      tpu.enqueue_indirect_dma source(%dma_start3A_1096 : memref<1000000x64xf32, #tpu.memory_space<hbm>>) target(%dma_start3A_1092 : memref<128x64xf32, #tpu.memory_space<vmem>>) offsets(%dma_start3A_1093 : memref<128xi32, #tpu.memory_space<vmem>>) semaphore(%dma_start3A_1098 : memref<!tpu.dma_semaphore, #tpu.memory_space<semaphore_mem>>)
      %add3A_1099 = arith.constant 6 : i32
      %add3A_1100 = arith.addi %mul3A_540, %add3A_1099 : i32
      %mul3A_1101 = arith.constant 128 : i32
      %mul3A_1102 = arith.muli %add3A_1100, %mul3A_1101 : i32
      %add3A_1103 = arith.addi %multiple_of3A, %mul3A_1102 : i32
      %multiple_of3A_1104 = tpu.assume_multiple %add3A_1103, 128 : i32
      %dma_wait3A_1105 = arith.constant 6 : i32
      %dma_wait3A_1106 = arith.constant 6 : i32
      %dma_wait3A_1107 = arith.constant 0 : i32
      %dma_wait3A_1108 = arith.constant 0 : i32
      %dma_wait3A_1109 = tpu.memref_slice %arg6[%dma_wait3A_1105, %dma_wait3A_1107, %dma_wait3A_1108] : memref<8x128x64xf32, #tpu.memory_space<vmem>> -> memref<1x128x64xf32, #tpu.memory_space<vmem>>
      %dma_wait3A_1110 = tpu.memref_squeeze %dma_wait3A_1109 : memref<1x128x64xf32, #tpu.memory_space<vmem>> -> memref<128x64xf32, #tpu.memory_space<vmem>>
      %dma_wait3A_1111 = arith.constant 0 : i32
      %dma_wait3A_1112 = tpu.memref_slice %arg4[%multiple_of3A_1104, %dma_wait3A_1111] : memref<819200x64xf32, #tpu.memory_space<hbm>> -> memref<128x64xf32, #tpu.memory_space<hbm>>
      %dma_wait3A_1113 = tpu.memref_slice %arg9[%dma_wait3A_1106] : memref<8x!tpu.dma_semaphore, #tpu.memory_space<semaphore_mem>> -> memref<1x!tpu.dma_semaphore, #tpu.memory_space<semaphore_mem>>
      %dma_wait3A_1114 = tpu.memref_squeeze %dma_wait3A_1113 : memref<1x!tpu.dma_semaphore, #tpu.memory_space<semaphore_mem>> -> memref<!tpu.dma_semaphore, #tpu.memory_space<semaphore_mem>>
      %dma_wait3A_1115 = arith.constant 0 : i32
      %dma_wait3A_1116 = tpu.memref_slice %arg4[%multiple_of3A_1104, %dma_wait3A_1115] : memref<819200x64xf32, #tpu.memory_space<hbm>> -> memref<128x64xf32, #tpu.memory_space<hbm>>
      %dma_wait3A_1117 = arith.constant 0 : i32
      %dma_wait3A_1118 = arith.constant 0 : i32
      %dma_wait3A_1119 = tpu.memref_slice %arg6[%dma_wait3A_1105, %dma_wait3A_1117, %dma_wait3A_1118] : memref<8x128x64xf32, #tpu.memory_space<vmem>> -> memref<1x128x64xf32, #tpu.memory_space<vmem>>
      %dma_wait3A_1120 = tpu.memref_squeeze %dma_wait3A_1119 : memref<1x128x64xf32, #tpu.memory_space<vmem>> -> memref<128x64xf32, #tpu.memory_space<vmem>>
      tpu.wait_dma2 semaphore(%dma_wait3A_1114 : memref<!tpu.dma_semaphore, #tpu.memory_space<semaphore_mem>>) src(%dma_wait3A_1120 : memref<128x64xf32, #tpu.memory_space<vmem>>) dst(%dma_wait3A_1116 : memref<128x64xf32, #tpu.memory_space<hbm>>)
      %add3A_1121 = arith.constant 6 : i32
      %add3A_1122 = arith.addi %mul3A_540, %add3A_1121 : i32
      %add3A_1123 = arith.constant 8 : i32
      %add3A_1124 = arith.addi %add3A_1122, %add3A_1123 : i32
      %mul3A_1125 = arith.constant 128 : i32
      %mul3A_1126 = arith.muli %add3A_1124, %mul3A_1125 : i32
      %multiple_of3A_1127 = tpu.assume_multiple %mul3A_1126, 128 : i32
      %dma_start3A_1128 = arith.constant 6 : i32
      %dma_start3A_1129 = arith.constant 6 : i32
      %dma_start3A_1130 = arith.constant 0 : i32
      %dma_start3A_1131 = arith.constant 0 : i32
      %dma_start3A_1132 = tpu.memref_slice %arg6[%dma_start3A_1128, %dma_start3A_1130, %dma_start3A_1131] : memref<8x128x64xf32, #tpu.memory_space<vmem>> -> memref<1x128x64xf32, #tpu.memory_space<vmem>>
      %dma_start3A_1133 = tpu.memref_squeeze %dma_start3A_1132 : memref<1x128x64xf32, #tpu.memory_space<vmem>> -> memref<128x64xf32, #tpu.memory_space<vmem>>
      %dma_start3A_1134 = tpu.memref_slice %arg5[%multiple_of3A_1127] : memref<25600xi32, #tpu.memory_space<vmem>> -> memref<128xi32, #tpu.memory_space<vmem>>
      %dma_start3A_1135 = arith.constant 0 : i32
      %dma_start3A_1136 = arith.constant 0 : i32
      %dma_start3A_1137 = tpu.memref_slice %arg3[%dma_start3A_1135, %dma_start3A_1136] : memref<1000000x64xf32, #tpu.memory_space<hbm>> -> memref<1000000x64xf32, #tpu.memory_space<hbm>>
      %dma_start3A_1138 = tpu.memref_slice %arg8[%dma_start3A_1129] : memref<8x!tpu.dma_semaphore, #tpu.memory_space<semaphore_mem>> -> memref<1x!tpu.dma_semaphore, #tpu.memory_space<semaphore_mem>>
      %dma_start3A_1139 = tpu.memref_squeeze %dma_start3A_1138 : memref<1x!tpu.dma_semaphore, #tpu.memory_space<semaphore_mem>> -> memref<!tpu.dma_semaphore, #tpu.memory_space<semaphore_mem>>
      tpu.enqueue_indirect_dma source(%dma_start3A_1137 : memref<1000000x64xf32, #tpu.memory_space<hbm>>) target(%dma_start3A_1133 : memref<128x64xf32, #tpu.memory_space<vmem>>) offsets(%dma_start3A_1134 : memref<128xi32, #tpu.memory_space<vmem>>) semaphore(%dma_start3A_1139 : memref<!tpu.dma_semaphore, #tpu.memory_space<semaphore_mem>>)
      %add3A_1140 = arith.constant 7 : i32
      %add3A_1141 = arith.addi %mul3A_540, %add3A_1140 : i32
      %mul3A_1142 = arith.constant 128 : i32
      %mul3A_1143 = arith.muli %add3A_1141, %mul3A_1142 : i32
      %add3A_1144 = arith.addi %multiple_of3A, %mul3A_1143 : i32
      %multiple_of3A_1145 = tpu.assume_multiple %add3A_1144, 128 : i32
      %dma_wait3A_1146 = arith.constant 7 : i32
      %dma_wait3A_1147 = arith.constant 7 : i32
      %dma_wait3A_1148 = arith.constant 0 : i32
      %dma_wait3A_1149 = arith.constant 0 : i32
      %dma_wait3A_1150 = tpu.memref_slice %arg6[%dma_wait3A_1146, %dma_wait3A_1148, %dma_wait3A_1149] : memref<8x128x64xf32, #tpu.memory_space<vmem>> -> memref<1x128x64xf32, #tpu.memory_space<vmem>>
      %dma_wait3A_1151 = tpu.memref_squeeze %dma_wait3A_1150 : memref<1x128x64xf32, #tpu.memory_space<vmem>> -> memref<128x64xf32, #tpu.memory_space<vmem>>
      %dma_wait3A_1152 = arith.constant 0 : i32
      %dma_wait3A_1153 = tpu.memref_slice %arg4[%multiple_of3A_1145, %dma_wait3A_1152] : memref<819200x64xf32, #tpu.memory_space<hbm>> -> memref<128x64xf32, #tpu.memory_space<hbm>>
      %dma_wait3A_1154 = tpu.memref_slice %arg9[%dma_wait3A_1147] : memref<8x!tpu.dma_semaphore, #tpu.memory_space<semaphore_mem>> -> memref<1x!tpu.dma_semaphore, #tpu.memory_space<semaphore_mem>>
      %dma_wait3A_1155 = tpu.memref_squeeze %dma_wait3A_1154 : memref<1x!tpu.dma_semaphore, #tpu.memory_space<semaphore_mem>> -> memref<!tpu.dma_semaphore, #tpu.memory_space<semaphore_mem>>
      %dma_wait3A_1156 = arith.constant 0 : i32
      %dma_wait3A_1157 = tpu.memref_slice %arg4[%multiple_of3A_1145, %dma_wait3A_1156] : memref<819200x64xf32, #tpu.memory_space<hbm>> -> memref<128x64xf32, #tpu.memory_space<hbm>>
      %dma_wait3A_1158 = arith.constant 0 : i32
      %dma_wait3A_1159 = arith.constant 0 : i32
      %dma_wait3A_1160 = tpu.memref_slice %arg6[%dma_wait3A_1146, %dma_wait3A_1158, %dma_wait3A_1159] : memref<8x128x64xf32, #tpu.memory_space<vmem>> -> memref<1x128x64xf32, #tpu.memory_space<vmem>>
      %dma_wait3A_1161 = tpu.memref_squeeze %dma_wait3A_1160 : memref<1x128x64xf32, #tpu.memory_space<vmem>> -> memref<128x64xf32, #tpu.memory_space<vmem>>
      tpu.wait_dma2 semaphore(%dma_wait3A_1155 : memref<!tpu.dma_semaphore, #tpu.memory_space<semaphore_mem>>) src(%dma_wait3A_1161 : memref<128x64xf32, #tpu.memory_space<vmem>>) dst(%dma_wait3A_1157 : memref<128x64xf32, #tpu.memory_space<hbm>>)
      %add3A_1162 = arith.constant 7 : i32
      %add3A_1163 = arith.addi %mul3A_540, %add3A_1162 : i32
      %add3A_1164 = arith.constant 8 : i32
      %add3A_1165 = arith.addi %add3A_1163, %add3A_1164 : i32
      %mul3A_1166 = arith.constant 128 : i32
      %mul3A_1167 = arith.muli %add3A_1165, %mul3A_1166 : i32
      %multiple_of3A_1168 = tpu.assume_multiple %mul3A_1167, 128 : i32
      %dma_start3A_1169 = arith.constant 7 : i32
      %dma_start3A_1170 = arith.constant 7 : i32
      %dma_start3A_1171 = arith.constant 0 : i32
      %dma_start3A_1172 = arith.constant 0 : i32
      %dma_start3A_1173 = tpu.memref_slice %arg6[%dma_start3A_1169, %dma_start3A_1171, %dma_start3A_1172] : memref<8x128x64xf32, #tpu.memory_space<vmem>> -> memref<1x128x64xf32, #tpu.memory_space<vmem>>
      %dma_start3A_1174 = tpu.memref_squeeze %dma_start3A_1173 : memref<1x128x64xf32, #tpu.memory_space<vmem>> -> memref<128x64xf32, #tpu.memory_space<vmem>>
      %dma_start3A_1175 = tpu.memref_slice %arg5[%multiple_of3A_1168] : memref<25600xi32, #tpu.memory_space<vmem>> -> memref<128xi32, #tpu.memory_space<vmem>>
      %dma_start3A_1176 = arith.constant 0 : i32
      %dma_start3A_1177 = arith.constant 0 : i32
      %dma_start3A_1178 = tpu.memref_slice %arg3[%dma_start3A_1176, %dma_start3A_1177] : memref<1000000x64xf32, #tpu.memory_space<hbm>> -> memref<1000000x64xf32, #tpu.memory_space<hbm>>
      %dma_start3A_1179 = tpu.memref_slice %arg8[%dma_start3A_1170] : memref<8x!tpu.dma_semaphore, #tpu.memory_space<semaphore_mem>> -> memref<1x!tpu.dma_semaphore, #tpu.memory_space<semaphore_mem>>
      %dma_start3A_1180 = tpu.memref_squeeze %dma_start3A_1179 : memref<1x!tpu.dma_semaphore, #tpu.memory_space<semaphore_mem>> -> memref<!tpu.dma_semaphore, #tpu.memory_space<semaphore_mem>>
      tpu.enqueue_indirect_dma source(%dma_start3A_1178 : memref<1000000x64xf32, #tpu.memory_space<hbm>>) target(%dma_start3A_1174 : memref<128x64xf32, #tpu.memory_space<vmem>>) offsets(%dma_start3A_1175 : memref<128xi32, #tpu.memory_space<vmem>>) semaphore(%dma_start3A_1180 : memref<!tpu.dma_semaphore, #tpu.memory_space<semaphore_mem>>)
    }
    %scan3A_121 = arith.constant 24 : i32
    %multiple_of3A_122 = arith.constant 24576 : i32
    %multiple_of3A_123 = tpu.assume_multiple %multiple_of3A_122, 128 : i32
    %dma_wait3A_124 = arith.constant 0 : i32
    %dma_wait3A_125 = arith.constant 0 : i32
    %dma_wait3A_126 = arith.constant 0 : i32
    %dma_wait3A_127 = arith.constant 0 : i32
    %dma_wait3A_128 = tpu.memref_slice %arg6[%dma_wait3A_124, %dma_wait3A_126, %dma_wait3A_127] : memref<8x128x64xf32, #tpu.memory_space<vmem>> -> memref<1x128x64xf32, #tpu.memory_space<vmem>>
    %dma_wait3A_129 = tpu.memref_squeeze %dma_wait3A_128 : memref<1x128x64xf32, #tpu.memory_space<vmem>> -> memref<128x64xf32, #tpu.memory_space<vmem>>
    %dma_wait3A_130 = tpu.memref_slice %arg5[%multiple_of3A_123] : memref<25600xi32, #tpu.memory_space<vmem>> -> memref<128xi32, #tpu.memory_space<vmem>>
    %dma_wait3A_131 = arith.constant 0 : i32
    %dma_wait3A_132 = arith.constant 0 : i32
    %dma_wait3A_133 = tpu.memref_slice %arg3[%dma_wait3A_131, %dma_wait3A_132] : memref<1000000x64xf32, #tpu.memory_space<hbm>> -> memref<1000000x64xf32, #tpu.memory_space<hbm>>
    %dma_wait3A_134 = tpu.memref_slice %arg8[%dma_wait3A_125] : memref<8x!tpu.dma_semaphore, #tpu.memory_space<semaphore_mem>> -> memref<1x!tpu.dma_semaphore, #tpu.memory_space<semaphore_mem>>
    %dma_wait3A_135 = tpu.memref_squeeze %dma_wait3A_134 : memref<1x!tpu.dma_semaphore, #tpu.memory_space<semaphore_mem>> -> memref<!tpu.dma_semaphore, #tpu.memory_space<semaphore_mem>>
    tpu.wait_indirect_dma semaphore(%dma_wait3A_135 : memref<!tpu.dma_semaphore, #tpu.memory_space<semaphore_mem>>) src(%dma_wait3A_133 : memref<1000000x64xf32, #tpu.memory_space<hbm>>) dst(%dma_wait3A_129 : memref<128x64xf32, #tpu.memory_space<vmem>>)
    %add3A_136 = arith.constant 24576 : i32
    %add3A_137 = arith.addi %multiple_of3A, %add3A_136 : i32
    %multiple_of3A_138 = tpu.assume_multiple %add3A_137, 128 : i32
    %dma_start3A_139 = arith.constant 0 : i32
    %dma_start3A_140 = arith.constant 0 : i32
    %dma_start3A_141 = arith.constant 0 : i32
    %dma_start3A_142 = arith.constant 0 : i32
    %dma_start3A_143 = tpu.memref_slice %arg6[%dma_start3A_139, %dma_start3A_141, %dma_start3A_142] : memref<8x128x64xf32, #tpu.memory_space<vmem>> -> memref<1x128x64xf32, #tpu.memory_space<vmem>>
    %dma_start3A_144 = tpu.memref_squeeze %dma_start3A_143 : memref<1x128x64xf32, #tpu.memory_space<vmem>> -> memref<128x64xf32, #tpu.memory_space<vmem>>
    %dma_start3A_145 = arith.constant 0 : i32
    %dma_start3A_146 = tpu.memref_slice %arg4[%multiple_of3A_138, %dma_start3A_145] : memref<819200x64xf32, #tpu.memory_space<hbm>> -> memref<128x64xf32, #tpu.memory_space<hbm>>
    %dma_start3A_147 = tpu.memref_slice %arg9[%dma_start3A_140] : memref<8x!tpu.dma_semaphore, #tpu.memory_space<semaphore_mem>> -> memref<1x!tpu.dma_semaphore, #tpu.memory_space<semaphore_mem>>
    %dma_start3A_148 = tpu.memref_squeeze %dma_start3A_147 : memref<1x!tpu.dma_semaphore, #tpu.memory_space<semaphore_mem>> -> memref<!tpu.dma_semaphore, #tpu.memory_space<semaphore_mem>>
    %dma_start3A_149 = arith.constant 0 : i32
    %dma_start3A_150 = tpu.memref_slice %arg4[%multiple_of3A_138, %dma_start3A_149] : memref<819200x64xf32, #tpu.memory_space<hbm>> -> memref<128x64xf32, #tpu.memory_space<hbm>>
    %dma_start3A_151 = arith.constant 0 : i32
    %dma_start3A_152 = arith.constant 0 : i32
    %dma_start3A_153 = tpu.memref_slice %arg6[%dma_start3A_139, %dma_start3A_151, %dma_start3A_152] : memref<8x128x64xf32, #tpu.memory_space<vmem>> -> memref<1x128x64xf32, #tpu.memory_space<vmem>>
    %dma_start3A_154 = tpu.memref_squeeze %dma_start3A_153 : memref<1x128x64xf32, #tpu.memory_space<vmem>> -> memref<128x64xf32, #tpu.memory_space<vmem>>
    tpu.enqueue_dma source(%dma_start3A_154 : memref<128x64xf32, #tpu.memory_space<vmem>>) target(%dma_start3A_150 : memref<128x64xf32, #tpu.memory_space<hbm>>) target_semaphore(%dma_start3A_148 : memref<!tpu.dma_semaphore, #tpu.memory_space<semaphore_mem>>)
    %multiple_of3A_155 = arith.constant 24704 : i32
    %multiple_of3A_156 = tpu.assume_multiple %multiple_of3A_155, 128 : i32
    %dma_wait3A_157 = arith.constant 1 : i32
    %dma_wait3A_158 = arith.constant 1 : i32
    %dma_wait3A_159 = arith.constant 0 : i32
    %dma_wait3A_160 = arith.constant 0 : i32
    %dma_wait3A_161 = tpu.memref_slice %arg6[%dma_wait3A_157, %dma_wait3A_159, %dma_wait3A_160] : memref<8x128x64xf32, #tpu.memory_space<vmem>> -> memref<1x128x64xf32, #tpu.memory_space<vmem>>
    %dma_wait3A_162 = tpu.memref_squeeze %dma_wait3A_161 : memref<1x128x64xf32, #tpu.memory_space<vmem>> -> memref<128x64xf32, #tpu.memory_space<vmem>>
    %dma_wait3A_163 = tpu.memref_slice %arg5[%multiple_of3A_156] : memref<25600xi32, #tpu.memory_space<vmem>> -> memref<128xi32, #tpu.memory_space<vmem>>
    %dma_wait3A_164 = arith.constant 0 : i32
    %dma_wait3A_165 = arith.constant 0 : i32
    %dma_wait3A_166 = tpu.memref_slice %arg3[%dma_wait3A_164, %dma_wait3A_165] : memref<1000000x64xf32, #tpu.memory_space<hbm>> -> memref<1000000x64xf32, #tpu.memory_space<hbm>>
    %dma_wait3A_167 = tpu.memref_slice %arg8[%dma_wait3A_158] : memref<8x!tpu.dma_semaphore, #tpu.memory_space<semaphore_mem>> -> memref<1x!tpu.dma_semaphore, #tpu.memory_space<semaphore_mem>>
    %dma_wait3A_168 = tpu.memref_squeeze %dma_wait3A_167 : memref<1x!tpu.dma_semaphore, #tpu.memory_space<semaphore_mem>> -> memref<!tpu.dma_semaphore, #tpu.memory_space<semaphore_mem>>
    tpu.wait_indirect_dma semaphore(%dma_wait3A_168 : memref<!tpu.dma_semaphore, #tpu.memory_space<semaphore_mem>>) src(%dma_wait3A_166 : memref<1000000x64xf32, #tpu.memory_space<hbm>>) dst(%dma_wait3A_162 : memref<128x64xf32, #tpu.memory_space<vmem>>)
    %add3A_169 = arith.constant 24704 : i32
    %add3A_170 = arith.addi %multiple_of3A, %add3A_169 : i32
    %multiple_of3A_171 = tpu.assume_multiple %add3A_170, 128 : i32
    %dma_start3A_172 = arith.constant 1 : i32
    %dma_start3A_173 = arith.constant 1 : i32
    %dma_start3A_174 = arith.constant 0 : i32
    %dma_start3A_175 = arith.constant 0 : i32
    %dma_start3A_176 = tpu.memref_slice %arg6[%dma_start3A_172, %dma_start3A_174, %dma_start3A_175] : memref<8x128x64xf32, #tpu.memory_space<vmem>> -> memref<1x128x64xf32, #tpu.memory_space<vmem>>
    %dma_start3A_177 = tpu.memref_squeeze %dma_start3A_176 : memref<1x128x64xf32, #tpu.memory_space<vmem>> -> memref<128x64xf32, #tpu.memory_space<vmem>>
    %dma_start3A_178 = arith.constant 0 : i32
    %dma_start3A_179 = tpu.memref_slice %arg4[%multiple_of3A_171, %dma_start3A_178] : memref<819200x64xf32, #tpu.memory_space<hbm>> -> memref<128x64xf32, #tpu.memory_space<hbm>>
    %dma_start3A_180 = tpu.memref_slice %arg9[%dma_start3A_173] : memref<8x!tpu.dma_semaphore, #tpu.memory_space<semaphore_mem>> -> memref<1x!tpu.dma_semaphore, #tpu.memory_space<semaphore_mem>>
    %dma_start3A_181 = tpu.memref_squeeze %dma_start3A_180 : memref<1x!tpu.dma_semaphore, #tpu.memory_space<semaphore_mem>> -> memref<!tpu.dma_semaphore, #tpu.memory_space<semaphore_mem>>
    %dma_start3A_182 = arith.constant 0 : i32
    %dma_start3A_183 = tpu.memref_slice %arg4[%multiple_of3A_171, %dma_start3A_182] : memref<819200x64xf32, #tpu.memory_space<hbm>> -> memref<128x64xf32, #tpu.memory_space<hbm>>
    %dma_start3A_184 = arith.constant 0 : i32
    %dma_start3A_185 = arith.constant 0 : i32
    %dma_start3A_186 = tpu.memref_slice %arg6[%dma_start3A_172, %dma_start3A_184, %dma_start3A_185] : memref<8x128x64xf32, #tpu.memory_space<vmem>> -> memref<1x128x64xf32, #tpu.memory_space<vmem>>
    %dma_start3A_187 = tpu.memref_squeeze %dma_start3A_186 : memref<1x128x64xf32, #tpu.memory_space<vmem>> -> memref<128x64xf32, #tpu.memory_space<vmem>>
    tpu.enqueue_dma source(%dma_start3A_187 : memref<128x64xf32, #tpu.memory_space<vmem>>) target(%dma_start3A_183 : memref<128x64xf32, #tpu.memory_space<hbm>>) target_semaphore(%dma_start3A_181 : memref<!tpu.dma_semaphore, #tpu.memory_space<semaphore_mem>>)
    %multiple_of3A_188 = arith.constant 24832 : i32
    %multiple_of3A_189 = tpu.assume_multiple %multiple_of3A_188, 128 : i32
    %dma_wait3A_190 = arith.constant 2 : i32
    %dma_wait3A_191 = arith.constant 2 : i32
    %dma_wait3A_192 = arith.constant 0 : i32
    %dma_wait3A_193 = arith.constant 0 : i32
    %dma_wait3A_194 = tpu.memref_slice %arg6[%dma_wait3A_190, %dma_wait3A_192, %dma_wait3A_193] : memref<8x128x64xf32, #tpu.memory_space<vmem>> -> memref<1x128x64xf32, #tpu.memory_space<vmem>>
    %dma_wait3A_195 = tpu.memref_squeeze %dma_wait3A_194 : memref<1x128x64xf32, #tpu.memory_space<vmem>> -> memref<128x64xf32, #tpu.memory_space<vmem>>
    %dma_wait3A_196 = tpu.memref_slice %arg5[%multiple_of3A_189] : memref<25600xi32, #tpu.memory_space<vmem>> -> memref<128xi32, #tpu.memory_space<vmem>>
    %dma_wait3A_197 = arith.constant 0 : i32
    %dma_wait3A_198 = arith.constant 0 : i32
    %dma_wait3A_199 = tpu.memref_slice %arg3[%dma_wait3A_197, %dma_wait3A_198] : memref<1000000x64xf32, #tpu.memory_space<hbm>> -> memref<1000000x64xf32, #tpu.memory_space<hbm>>
    %dma_wait3A_200 = tpu.memref_slice %arg8[%dma_wait3A_191] : memref<8x!tpu.dma_semaphore, #tpu.memory_space<semaphore_mem>> -> memref<1x!tpu.dma_semaphore, #tpu.memory_space<semaphore_mem>>
    %dma_wait3A_201 = tpu.memref_squeeze %dma_wait3A_200 : memref<1x!tpu.dma_semaphore, #tpu.memory_space<semaphore_mem>> -> memref<!tpu.dma_semaphore, #tpu.memory_space<semaphore_mem>>
    tpu.wait_indirect_dma semaphore(%dma_wait3A_201 : memref<!tpu.dma_semaphore, #tpu.memory_space<semaphore_mem>>) src(%dma_wait3A_199 : memref<1000000x64xf32, #tpu.memory_space<hbm>>) dst(%dma_wait3A_195 : memref<128x64xf32, #tpu.memory_space<vmem>>)
    %add3A_202 = arith.constant 24832 : i32
    %add3A_203 = arith.addi %multiple_of3A, %add3A_202 : i32
    %multiple_of3A_204 = tpu.assume_multiple %add3A_203, 128 : i32
    %dma_start3A_205 = arith.constant 2 : i32
    %dma_start3A_206 = arith.constant 2 : i32
    %dma_start3A_207 = arith.constant 0 : i32
    %dma_start3A_208 = arith.constant 0 : i32
    %dma_start3A_209 = tpu.memref_slice %arg6[%dma_start3A_205, %dma_start3A_207, %dma_start3A_208] : memref<8x128x64xf32, #tpu.memory_space<vmem>> -> memref<1x128x64xf32, #tpu.memory_space<vmem>>
    %dma_start3A_210 = tpu.memref_squeeze %dma_start3A_209 : memref<1x128x64xf32, #tpu.memory_space<vmem>> -> memref<128x64xf32, #tpu.memory_space<vmem>>
    %dma_start3A_211 = arith.constant 0 : i32
    %dma_start3A_212 = tpu.memref_slice %arg4[%multiple_of3A_204, %dma_start3A_211] : memref<819200x64xf32, #tpu.memory_space<hbm>> -> memref<128x64xf32, #tpu.memory_space<hbm>>
    %dma_start3A_213 = tpu.memref_slice %arg9[%dma_start3A_206] : memref<8x!tpu.dma_semaphore, #tpu.memory_space<semaphore_mem>> -> memref<1x!tpu.dma_semaphore, #tpu.memory_space<semaphore_mem>>
    %dma_start3A_214 = tpu.memref_squeeze %dma_start3A_213 : memref<1x!tpu.dma_semaphore, #tpu.memory_space<semaphore_mem>> -> memref<!tpu.dma_semaphore, #tpu.memory_space<semaphore_mem>>
    %dma_start3A_215 = arith.constant 0 : i32
    %dma_start3A_216 = tpu.memref_slice %arg4[%multiple_of3A_204, %dma_start3A_215] : memref<819200x64xf32, #tpu.memory_space<hbm>> -> memref<128x64xf32, #tpu.memory_space<hbm>>
    %dma_start3A_217 = arith.constant 0 : i32
    %dma_start3A_218 = arith.constant 0 : i32
    %dma_start3A_219 = tpu.memref_slice %arg6[%dma_start3A_205, %dma_start3A_217, %dma_start3A_218] : memref<8x128x64xf32, #tpu.memory_space<vmem>> -> memref<1x128x64xf32, #tpu.memory_space<vmem>>
    %dma_start3A_220 = tpu.memref_squeeze %dma_start3A_219 : memref<1x128x64xf32, #tpu.memory_space<vmem>> -> memref<128x64xf32, #tpu.memory_space<vmem>>
    tpu.enqueue_dma source(%dma_start3A_220 : memref<128x64xf32, #tpu.memory_space<vmem>>) target(%dma_start3A_216 : memref<128x64xf32, #tpu.memory_space<hbm>>) target_semaphore(%dma_start3A_214 : memref<!tpu.dma_semaphore, #tpu.memory_space<semaphore_mem>>)
    %multiple_of3A_221 = arith.constant 24960 : i32
    %multiple_of3A_222 = tpu.assume_multiple %multiple_of3A_221, 128 : i32
    %dma_wait3A_223 = arith.constant 3 : i32
    %dma_wait3A_224 = arith.constant 3 : i32
    %dma_wait3A_225 = arith.constant 0 : i32
    %dma_wait3A_226 = arith.constant 0 : i32
    %dma_wait3A_227 = tpu.memref_slice %arg6[%dma_wait3A_223, %dma_wait3A_225, %dma_wait3A_226] : memref<8x128x64xf32, #tpu.memory_space<vmem>> -> memref<1x128x64xf32, #tpu.memory_space<vmem>>
    %dma_wait3A_228 = tpu.memref_squeeze %dma_wait3A_227 : memref<1x128x64xf32, #tpu.memory_space<vmem>> -> memref<128x64xf32, #tpu.memory_space<vmem>>
    %dma_wait3A_229 = tpu.memref_slice %arg5[%multiple_of3A_222] : memref<25600xi32, #tpu.memory_space<vmem>> -> memref<128xi32, #tpu.memory_space<vmem>>
    %dma_wait3A_230 = arith.constant 0 : i32
    %dma_wait3A_231 = arith.constant 0 : i32
    %dma_wait3A_232 = tpu.memref_slice %arg3[%dma_wait3A_230, %dma_wait3A_231] : memref<1000000x64xf32, #tpu.memory_space<hbm>> -> memref<1000000x64xf32, #tpu.memory_space<hbm>>
    %dma_wait3A_233 = tpu.memref_slice %arg8[%dma_wait3A_224] : memref<8x!tpu.dma_semaphore, #tpu.memory_space<semaphore_mem>> -> memref<1x!tpu.dma_semaphore, #tpu.memory_space<semaphore_mem>>
    %dma_wait3A_234 = tpu.memref_squeeze %dma_wait3A_233 : memref<1x!tpu.dma_semaphore, #tpu.memory_space<semaphore_mem>> -> memref<!tpu.dma_semaphore, #tpu.memory_space<semaphore_mem>>
    tpu.wait_indirect_dma semaphore(%dma_wait3A_234 : memref<!tpu.dma_semaphore, #tpu.memory_space<semaphore_mem>>) src(%dma_wait3A_232 : memref<1000000x64xf32, #tpu.memory_space<hbm>>) dst(%dma_wait3A_228 : memref<128x64xf32, #tpu.memory_space<vmem>>)
    %add3A_235 = arith.constant 24960 : i32
    %add3A_236 = arith.addi %multiple_of3A, %add3A_235 : i32
    %multiple_of3A_237 = tpu.assume_multiple %add3A_236, 128 : i32
    %dma_start3A_238 = arith.constant 3 : i32
    %dma_start3A_239 = arith.constant 3 : i32
    %dma_start3A_240 = arith.constant 0 : i32
    %dma_start3A_241 = arith.constant 0 : i32
    %dma_start3A_242 = tpu.memref_slice %arg6[%dma_start3A_238, %dma_start3A_240, %dma_start3A_241] : memref<8x128x64xf32, #tpu.memory_space<vmem>> -> memref<1x128x64xf32, #tpu.memory_space<vmem>>
    %dma_start3A_243 = tpu.memref_squeeze %dma_start3A_242 : memref<1x128x64xf32, #tpu.memory_space<vmem>> -> memref<128x64xf32, #tpu.memory_space<vmem>>
    %dma_start3A_244 = arith.constant 0 : i32
    %dma_start3A_245 = tpu.memref_slice %arg4[%multiple_of3A_237, %dma_start3A_244] : memref<819200x64xf32, #tpu.memory_space<hbm>> -> memref<128x64xf32, #tpu.memory_space<hbm>>
    %dma_start3A_246 = tpu.memref_slice %arg9[%dma_start3A_239] : memref<8x!tpu.dma_semaphore, #tpu.memory_space<semaphore_mem>> -> memref<1x!tpu.dma_semaphore, #tpu.memory_space<semaphore_mem>>
    %dma_start3A_247 = tpu.memref_squeeze %dma_start3A_246 : memref<1x!tpu.dma_semaphore, #tpu.memory_space<semaphore_mem>> -> memref<!tpu.dma_semaphore, #tpu.memory_space<semaphore_mem>>
    %dma_start3A_248 = arith.constant 0 : i32
    %dma_start3A_249 = tpu.memref_slice %arg4[%multiple_of3A_237, %dma_start3A_248] : memref<819200x64xf32, #tpu.memory_space<hbm>> -> memref<128x64xf32, #tpu.memory_space<hbm>>
    %dma_start3A_250 = arith.constant 0 : i32
    %dma_start3A_251 = arith.constant 0 : i32
    %dma_start3A_252 = tpu.memref_slice %arg6[%dma_start3A_238, %dma_start3A_250, %dma_start3A_251] : memref<8x128x64xf32, #tpu.memory_space<vmem>> -> memref<1x128x64xf32, #tpu.memory_space<vmem>>
    %dma_start3A_253 = tpu.memref_squeeze %dma_start3A_252 : memref<1x128x64xf32, #tpu.memory_space<vmem>> -> memref<128x64xf32, #tpu.memory_space<vmem>>
    tpu.enqueue_dma source(%dma_start3A_253 : memref<128x64xf32, #tpu.memory_space<vmem>>) target(%dma_start3A_249 : memref<128x64xf32, #tpu.memory_space<hbm>>) target_semaphore(%dma_start3A_247 : memref<!tpu.dma_semaphore, #tpu.memory_space<semaphore_mem>>)
    %multiple_of3A_254 = arith.constant 25088 : i32
    %multiple_of3A_255 = tpu.assume_multiple %multiple_of3A_254, 128 : i32
    %dma_wait3A_256 = arith.constant 4 : i32
    %dma_wait3A_257 = arith.constant 4 : i32
    %dma_wait3A_258 = arith.constant 0 : i32
    %dma_wait3A_259 = arith.constant 0 : i32
    %dma_wait3A_260 = tpu.memref_slice %arg6[%dma_wait3A_256, %dma_wait3A_258, %dma_wait3A_259] : memref<8x128x64xf32, #tpu.memory_space<vmem>> -> memref<1x128x64xf32, #tpu.memory_space<vmem>>
    %dma_wait3A_261 = tpu.memref_squeeze %dma_wait3A_260 : memref<1x128x64xf32, #tpu.memory_space<vmem>> -> memref<128x64xf32, #tpu.memory_space<vmem>>
    %dma_wait3A_262 = tpu.memref_slice %arg5[%multiple_of3A_255] : memref<25600xi32, #tpu.memory_space<vmem>> -> memref<128xi32, #tpu.memory_space<vmem>>
    %dma_wait3A_263 = arith.constant 0 : i32
    %dma_wait3A_264 = arith.constant 0 : i32
    %dma_wait3A_265 = tpu.memref_slice %arg3[%dma_wait3A_263, %dma_wait3A_264] : memref<1000000x64xf32, #tpu.memory_space<hbm>> -> memref<1000000x64xf32, #tpu.memory_space<hbm>>
    %dma_wait3A_266 = tpu.memref_slice %arg8[%dma_wait3A_257] : memref<8x!tpu.dma_semaphore, #tpu.memory_space<semaphore_mem>> -> memref<1x!tpu.dma_semaphore, #tpu.memory_space<semaphore_mem>>
    %dma_wait3A_267 = tpu.memref_squeeze %dma_wait3A_266 : memref<1x!tpu.dma_semaphore, #tpu.memory_space<semaphore_mem>> -> memref<!tpu.dma_semaphore, #tpu.memory_space<semaphore_mem>>
    tpu.wait_indirect_dma semaphore(%dma_wait3A_267 : memref<!tpu.dma_semaphore, #tpu.memory_space<semaphore_mem>>) src(%dma_wait3A_265 : memref<1000000x64xf32, #tpu.memory_space<hbm>>) dst(%dma_wait3A_261 : memref<128x64xf32, #tpu.memory_space<vmem>>)
    %add3A_268 = arith.constant 25088 : i32
    %add3A_269 = arith.addi %multiple_of3A, %add3A_268 : i32
    %multiple_of3A_270 = tpu.assume_multiple %add3A_269, 128 : i32
    %dma_start3A_271 = arith.constant 4 : i32
    %dma_start3A_272 = arith.constant 4 : i32
    %dma_start3A_273 = arith.constant 0 : i32
    %dma_start3A_274 = arith.constant 0 : i32
    %dma_start3A_275 = tpu.memref_slice %arg6[%dma_start3A_271, %dma_start3A_273, %dma_start3A_274] : memref<8x128x64xf32, #tpu.memory_space<vmem>> -> memref<1x128x64xf32, #tpu.memory_space<vmem>>
    %dma_start3A_276 = tpu.memref_squeeze %dma_start3A_275 : memref<1x128x64xf32, #tpu.memory_space<vmem>> -> memref<128x64xf32, #tpu.memory_space<vmem>>
    %dma_start3A_277 = arith.constant 0 : i32
    %dma_start3A_278 = tpu.memref_slice %arg4[%multiple_of3A_270, %dma_start3A_277] : memref<819200x64xf32, #tpu.memory_space<hbm>> -> memref<128x64xf32, #tpu.memory_space<hbm>>
    %dma_start3A_279 = tpu.memref_slice %arg9[%dma_start3A_272] : memref<8x!tpu.dma_semaphore, #tpu.memory_space<semaphore_mem>> -> memref<1x!tpu.dma_semaphore, #tpu.memory_space<semaphore_mem>>
    %dma_start3A_280 = tpu.memref_squeeze %dma_start3A_279 : memref<1x!tpu.dma_semaphore, #tpu.memory_space<semaphore_mem>> -> memref<!tpu.dma_semaphore, #tpu.memory_space<semaphore_mem>>
    %dma_start3A_281 = arith.constant 0 : i32
    %dma_start3A_282 = tpu.memref_slice %arg4[%multiple_of3A_270, %dma_start3A_281] : memref<819200x64xf32, #tpu.memory_space<hbm>> -> memref<128x64xf32, #tpu.memory_space<hbm>>
    %dma_start3A_283 = arith.constant 0 : i32
    %dma_start3A_284 = arith.constant 0 : i32
    %dma_start3A_285 = tpu.memref_slice %arg6[%dma_start3A_271, %dma_start3A_283, %dma_start3A_284] : memref<8x128x64xf32, #tpu.memory_space<vmem>> -> memref<1x128x64xf32, #tpu.memory_space<vmem>>
    %dma_start3A_286 = tpu.memref_squeeze %dma_start3A_285 : memref<1x128x64xf32, #tpu.memory_space<vmem>> -> memref<128x64xf32, #tpu.memory_space<vmem>>
    tpu.enqueue_dma source(%dma_start3A_286 : memref<128x64xf32, #tpu.memory_space<vmem>>) target(%dma_start3A_282 : memref<128x64xf32, #tpu.memory_space<hbm>>) target_semaphore(%dma_start3A_280 : memref<!tpu.dma_semaphore, #tpu.memory_space<semaphore_mem>>)
    %multiple_of3A_287 = arith.constant 25216 : i32
    %multiple_of3A_288 = tpu.assume_multiple %multiple_of3A_287, 128 : i32
    %dma_wait3A_289 = arith.constant 5 : i32
    %dma_wait3A_290 = arith.constant 5 : i32
    %dma_wait3A_291 = arith.constant 0 : i32
    %dma_wait3A_292 = arith.constant 0 : i32
    %dma_wait3A_293 = tpu.memref_slice %arg6[%dma_wait3A_289, %dma_wait3A_291, %dma_wait3A_292] : memref<8x128x64xf32, #tpu.memory_space<vmem>> -> memref<1x128x64xf32, #tpu.memory_space<vmem>>
    %dma_wait3A_294 = tpu.memref_squeeze %dma_wait3A_293 : memref<1x128x64xf32, #tpu.memory_space<vmem>> -> memref<128x64xf32, #tpu.memory_space<vmem>>
    %dma_wait3A_295 = tpu.memref_slice %arg5[%multiple_of3A_288] : memref<25600xi32, #tpu.memory_space<vmem>> -> memref<128xi32, #tpu.memory_space<vmem>>
    %dma_wait3A_296 = arith.constant 0 : i32
    %dma_wait3A_297 = arith.constant 0 : i32
    %dma_wait3A_298 = tpu.memref_slice %arg3[%dma_wait3A_296, %dma_wait3A_297] : memref<1000000x64xf32, #tpu.memory_space<hbm>> -> memref<1000000x64xf32, #tpu.memory_space<hbm>>
    %dma_wait3A_299 = tpu.memref_slice %arg8[%dma_wait3A_290] : memref<8x!tpu.dma_semaphore, #tpu.memory_space<semaphore_mem>> -> memref<1x!tpu.dma_semaphore, #tpu.memory_space<semaphore_mem>>
    %dma_wait3A_300 = tpu.memref_squeeze %dma_wait3A_299 : memref<1x!tpu.dma_semaphore, #tpu.memory_space<semaphore_mem>> -> memref<!tpu.dma_semaphore, #tpu.memory_space<semaphore_mem>>
    tpu.wait_indirect_dma semaphore(%dma_wait3A_300 : memref<!tpu.dma_semaphore, #tpu.memory_space<semaphore_mem>>) src(%dma_wait3A_298 : memref<1000000x64xf32, #tpu.memory_space<hbm>>) dst(%dma_wait3A_294 : memref<128x64xf32, #tpu.memory_space<vmem>>)
    %add3A_301 = arith.constant 25216 : i32
    %add3A_302 = arith.addi %multiple_of3A, %add3A_301 : i32
    %multiple_of3A_303 = tpu.assume_multiple %add3A_302, 128 : i32
    %dma_start3A_304 = arith.constant 5 : i32
    %dma_start3A_305 = arith.constant 5 : i32
    %dma_start3A_306 = arith.constant 0 : i32
    %dma_start3A_307 = arith.constant 0 : i32
    %dma_start3A_308 = tpu.memref_slice %arg6[%dma_start3A_304, %dma_start3A_306, %dma_start3A_307] : memref<8x128x64xf32, #tpu.memory_space<vmem>> -> memref<1x128x64xf32, #tpu.memory_space<vmem>>
    %dma_start3A_309 = tpu.memref_squeeze %dma_start3A_308 : memref<1x128x64xf32, #tpu.memory_space<vmem>> -> memref<128x64xf32, #tpu.memory_space<vmem>>
    %dma_start3A_310 = arith.constant 0 : i32
    %dma_start3A_311 = tpu.memref_slice %arg4[%multiple_of3A_303, %dma_start3A_310] : memref<819200x64xf32, #tpu.memory_space<hbm>> -> memref<128x64xf32, #tpu.memory_space<hbm>>
    %dma_start3A_312 = tpu.memref_slice %arg9[%dma_start3A_305] : memref<8x!tpu.dma_semaphore, #tpu.memory_space<semaphore_mem>> -> memref<1x!tpu.dma_semaphore, #tpu.memory_space<semaphore_mem>>
    %dma_start3A_313 = tpu.memref_squeeze %dma_start3A_312 : memref<1x!tpu.dma_semaphore, #tpu.memory_space<semaphore_mem>> -> memref<!tpu.dma_semaphore, #tpu.memory_space<semaphore_mem>>
    %dma_start3A_314 = arith.constant 0 : i32
    %dma_start3A_315 = tpu.memref_slice %arg4[%multiple_of3A_303, %dma_start3A_314] : memref<819200x64xf32, #tpu.memory_space<hbm>> -> memref<128x64xf32, #tpu.memory_space<hbm>>
    %dma_start3A_316 = arith.constant 0 : i32
    %dma_start3A_317 = arith.constant 0 : i32
    %dma_start3A_318 = tpu.memref_slice %arg6[%dma_start3A_304, %dma_start3A_316, %dma_start3A_317] : memref<8x128x64xf32, #tpu.memory_space<vmem>> -> memref<1x128x64xf32, #tpu.memory_space<vmem>>
    %dma_start3A_319 = tpu.memref_squeeze %dma_start3A_318 : memref<1x128x64xf32, #tpu.memory_space<vmem>> -> memref<128x64xf32, #tpu.memory_space<vmem>>
    tpu.enqueue_dma source(%dma_start3A_319 : memref<128x64xf32, #tpu.memory_space<vmem>>) target(%dma_start3A_315 : memref<128x64xf32, #tpu.memory_space<hbm>>) target_semaphore(%dma_start3A_313 : memref<!tpu.dma_semaphore, #tpu.memory_space<semaphore_mem>>)
    %multiple_of3A_320 = arith.constant 25344 : i32
    %multiple_of3A_321 = tpu.assume_multiple %multiple_of3A_320, 128 : i32
    %dma_wait3A_322 = arith.constant 6 : i32
    %dma_wait3A_323 = arith.constant 6 : i32
    %dma_wait3A_324 = arith.constant 0 : i32
    %dma_wait3A_325 = arith.constant 0 : i32
    %dma_wait3A_326 = tpu.memref_slice %arg6[%dma_wait3A_322, %dma_wait3A_324, %dma_wait3A_325] : memref<8x128x64xf32, #tpu.memory_space<vmem>> -> memref<1x128x64xf32, #tpu.memory_space<vmem>>
    %dma_wait3A_327 = tpu.memref_squeeze %dma_wait3A_326 : memref<1x128x64xf32, #tpu.memory_space<vmem>> -> memref<128x64xf32, #tpu.memory_space<vmem>>
    %dma_wait3A_328 = tpu.memref_slice %arg5[%multiple_of3A_321] : memref<25600xi32, #tpu.memory_space<vmem>> -> memref<128xi32, #tpu.memory_space<vmem>>
    %dma_wait3A_329 = arith.constant 0 : i32
    %dma_wait3A_330 = arith.constant 0 : i32
    %dma_wait3A_331 = tpu.memref_slice %arg3[%dma_wait3A_329, %dma_wait3A_330] : memref<1000000x64xf32, #tpu.memory_space<hbm>> -> memref<1000000x64xf32, #tpu.memory_space<hbm>>
    %dma_wait3A_332 = tpu.memref_slice %arg8[%dma_wait3A_323] : memref<8x!tpu.dma_semaphore, #tpu.memory_space<semaphore_mem>> -> memref<1x!tpu.dma_semaphore, #tpu.memory_space<semaphore_mem>>
    %dma_wait3A_333 = tpu.memref_squeeze %dma_wait3A_332 : memref<1x!tpu.dma_semaphore, #tpu.memory_space<semaphore_mem>> -> memref<!tpu.dma_semaphore, #tpu.memory_space<semaphore_mem>>
    tpu.wait_indirect_dma semaphore(%dma_wait3A_333 : memref<!tpu.dma_semaphore, #tpu.memory_space<semaphore_mem>>) src(%dma_wait3A_331 : memref<1000000x64xf32, #tpu.memory_space<hbm>>) dst(%dma_wait3A_327 : memref<128x64xf32, #tpu.memory_space<vmem>>)
    %add3A_334 = arith.constant 25344 : i32
    %add3A_335 = arith.addi %multiple_of3A, %add3A_334 : i32
    %multiple_of3A_336 = tpu.assume_multiple %add3A_335, 128 : i32
    %dma_start3A_337 = arith.constant 6 : i32
    %dma_start3A_338 = arith.constant 6 : i32
    %dma_start3A_339 = arith.constant 0 : i32
    %dma_start3A_340 = arith.constant 0 : i32
    %dma_start3A_341 = tpu.memref_slice %arg6[%dma_start3A_337, %dma_start3A_339, %dma_start3A_340] : memref<8x128x64xf32, #tpu.memory_space<vmem>> -> memref<1x128x64xf32, #tpu.memory_space<vmem>>
    %dma_start3A_342 = tpu.memref_squeeze %dma_start3A_341 : memref<1x128x64xf32, #tpu.memory_space<vmem>> -> memref<128x64xf32, #tpu.memory_space<vmem>>
    %dma_start3A_343 = arith.constant 0 : i32
    %dma_start3A_344 = tpu.memref_slice %arg4[%multiple_of3A_336, %dma_start3A_343] : memref<819200x64xf32, #tpu.memory_space<hbm>> -> memref<128x64xf32, #tpu.memory_space<hbm>>
    %dma_start3A_345 = tpu.memref_slice %arg9[%dma_start3A_338] : memref<8x!tpu.dma_semaphore, #tpu.memory_space<semaphore_mem>> -> memref<1x!tpu.dma_semaphore, #tpu.memory_space<semaphore_mem>>
    %dma_start3A_346 = tpu.memref_squeeze %dma_start3A_345 : memref<1x!tpu.dma_semaphore, #tpu.memory_space<semaphore_mem>> -> memref<!tpu.dma_semaphore, #tpu.memory_space<semaphore_mem>>
    %dma_start3A_347 = arith.constant 0 : i32
    %dma_start3A_348 = tpu.memref_slice %arg4[%multiple_of3A_336, %dma_start3A_347] : memref<819200x64xf32, #tpu.memory_space<hbm>> -> memref<128x64xf32, #tpu.memory_space<hbm>>
    %dma_start3A_349 = arith.constant 0 : i32
    %dma_start3A_350 = arith.constant 0 : i32
    %dma_start3A_351 = tpu.memref_slice %arg6[%dma_start3A_337, %dma_start3A_349, %dma_start3A_350] : memref<8x128x64xf32, #tpu.memory_space<vmem>> -> memref<1x128x64xf32, #tpu.memory_space<vmem>>
    %dma_start3A_352 = tpu.memref_squeeze %dma_start3A_351 : memref<1x128x64xf32, #tpu.memory_space<vmem>> -> memref<128x64xf32, #tpu.memory_space<vmem>>
    tpu.enqueue_dma source(%dma_start3A_352 : memref<128x64xf32, #tpu.memory_space<vmem>>) target(%dma_start3A_348 : memref<128x64xf32, #tpu.memory_space<hbm>>) target_semaphore(%dma_start3A_346 : memref<!tpu.dma_semaphore, #tpu.memory_space<semaphore_mem>>)
    %multiple_of3A_353 = arith.constant 25472 : i32
    %multiple_of3A_354 = tpu.assume_multiple %multiple_of3A_353, 128 : i32
    %dma_wait3A_355 = arith.constant 7 : i32
    %dma_wait3A_356 = arith.constant 7 : i32
    %dma_wait3A_357 = arith.constant 0 : i32
    %dma_wait3A_358 = arith.constant 0 : i32
    %dma_wait3A_359 = tpu.memref_slice %arg6[%dma_wait3A_355, %dma_wait3A_357, %dma_wait3A_358] : memref<8x128x64xf32, #tpu.memory_space<vmem>> -> memref<1x128x64xf32, #tpu.memory_space<vmem>>
    %dma_wait3A_360 = tpu.memref_squeeze %dma_wait3A_359 : memref<1x128x64xf32, #tpu.memory_space<vmem>> -> memref<128x64xf32, #tpu.memory_space<vmem>>
    %dma_wait3A_361 = tpu.memref_slice %arg5[%multiple_of3A_354] : memref<25600xi32, #tpu.memory_space<vmem>> -> memref<128xi32, #tpu.memory_space<vmem>>
    %dma_wait3A_362 = arith.constant 0 : i32
    %dma_wait3A_363 = arith.constant 0 : i32
    %dma_wait3A_364 = tpu.memref_slice %arg3[%dma_wait3A_362, %dma_wait3A_363] : memref<1000000x64xf32, #tpu.memory_space<hbm>> -> memref<1000000x64xf32, #tpu.memory_space<hbm>>
    %dma_wait3A_365 = tpu.memref_slice %arg8[%dma_wait3A_356] : memref<8x!tpu.dma_semaphore, #tpu.memory_space<semaphore_mem>> -> memref<1x!tpu.dma_semaphore, #tpu.memory_space<semaphore_mem>>
    %dma_wait3A_366 = tpu.memref_squeeze %dma_wait3A_365 : memref<1x!tpu.dma_semaphore, #tpu.memory_space<semaphore_mem>> -> memref<!tpu.dma_semaphore, #tpu.memory_space<semaphore_mem>>
    tpu.wait_indirect_dma semaphore(%dma_wait3A_366 : memref<!tpu.dma_semaphore, #tpu.memory_space<semaphore_mem>>) src(%dma_wait3A_364 : memref<1000000x64xf32, #tpu.memory_space<hbm>>) dst(%dma_wait3A_360 : memref<128x64xf32, #tpu.memory_space<vmem>>)
    %add3A_367 = arith.constant 25472 : i32
    %add3A_368 = arith.addi %multiple_of3A, %add3A_367 : i32
    %multiple_of3A_369 = tpu.assume_multiple %add3A_368, 128 : i32
    %dma_start3A_370 = arith.constant 7 : i32
    %dma_start3A_371 = arith.constant 7 : i32
    %dma_start3A_372 = arith.constant 0 : i32
    %dma_start3A_373 = arith.constant 0 : i32
    %dma_start3A_374 = tpu.memref_slice %arg6[%dma_start3A_370, %dma_start3A_372, %dma_start3A_373] : memref<8x128x64xf32, #tpu.memory_space<vmem>> -> memref<1x128x64xf32, #tpu.memory_space<vmem>>
    %dma_start3A_375 = tpu.memref_squeeze %dma_start3A_374 : memref<1x128x64xf32, #tpu.memory_space<vmem>> -> memref<128x64xf32, #tpu.memory_space<vmem>>
    %dma_start3A_376 = arith.constant 0 : i32
    %dma_start3A_377 = tpu.memref_slice %arg4[%multiple_of3A_369, %dma_start3A_376] : memref<819200x64xf32, #tpu.memory_space<hbm>> -> memref<128x64xf32, #tpu.memory_space<hbm>>
    %dma_start3A_378 = tpu.memref_slice %arg9[%dma_start3A_371] : memref<8x!tpu.dma_semaphore, #tpu.memory_space<semaphore_mem>> -> memref<1x!tpu.dma_semaphore, #tpu.memory_space<semaphore_mem>>
    %dma_start3A_379 = tpu.memref_squeeze %dma_start3A_378 : memref<1x!tpu.dma_semaphore, #tpu.memory_space<semaphore_mem>> -> memref<!tpu.dma_semaphore, #tpu.memory_space<semaphore_mem>>
    %dma_start3A_380 = arith.constant 0 : i32
    %dma_start3A_381 = tpu.memref_slice %arg4[%multiple_of3A_369, %dma_start3A_380] : memref<819200x64xf32, #tpu.memory_space<hbm>> -> memref<128x64xf32, #tpu.memory_space<hbm>>
    %dma_start3A_382 = arith.constant 0 : i32
    %dma_start3A_383 = arith.constant 0 : i32
    %dma_start3A_384 = tpu.memref_slice %arg6[%dma_start3A_370, %dma_start3A_382, %dma_start3A_383] : memref<8x128x64xf32, #tpu.memory_space<vmem>> -> memref<1x128x64xf32, #tpu.memory_space<vmem>>
    %dma_start3A_385 = tpu.memref_squeeze %dma_start3A_384 : memref<1x128x64xf32, #tpu.memory_space<vmem>> -> memref<128x64xf32, #tpu.memory_space<vmem>>
    tpu.enqueue_dma source(%dma_start3A_385 : memref<128x64xf32, #tpu.memory_space<vmem>>) target(%dma_start3A_381 : memref<128x64xf32, #tpu.memory_space<hbm>>) target_semaphore(%dma_start3A_379 : memref<!tpu.dma_semaphore, #tpu.memory_space<semaphore_mem>>)
    %add3A_386 = arith.constant 24576 : i32
    %add3A_387 = arith.addi %multiple_of3A, %add3A_386 : i32
    %multiple_of3A_388 = tpu.assume_multiple %add3A_387, 128 : i32
    %dma_wait3A_389 = arith.constant 0 : i32
    %dma_wait3A_390 = arith.constant 0 : i32
    %dma_wait3A_391 = arith.constant 0 : i32
    %dma_wait3A_392 = arith.constant 0 : i32
    %dma_wait3A_393 = tpu.memref_slice %arg6[%dma_wait3A_389, %dma_wait3A_391, %dma_wait3A_392] : memref<8x128x64xf32, #tpu.memory_space<vmem>> -> memref<1x128x64xf32, #tpu.memory_space<vmem>>
    %dma_wait3A_394 = tpu.memref_squeeze %dma_wait3A_393 : memref<1x128x64xf32, #tpu.memory_space<vmem>> -> memref<128x64xf32, #tpu.memory_space<vmem>>
    %dma_wait3A_395 = arith.constant 0 : i32
    %dma_wait3A_396 = tpu.memref_slice %arg4[%multiple_of3A_388, %dma_wait3A_395] : memref<819200x64xf32, #tpu.memory_space<hbm>> -> memref<128x64xf32, #tpu.memory_space<hbm>>
    %dma_wait3A_397 = tpu.memref_slice %arg9[%dma_wait3A_390] : memref<8x!tpu.dma_semaphore, #tpu.memory_space<semaphore_mem>> -> memref<1x!tpu.dma_semaphore, #tpu.memory_space<semaphore_mem>>
    %dma_wait3A_398 = tpu.memref_squeeze %dma_wait3A_397 : memref<1x!tpu.dma_semaphore, #tpu.memory_space<semaphore_mem>> -> memref<!tpu.dma_semaphore, #tpu.memory_space<semaphore_mem>>
    %dma_wait3A_399 = arith.constant 0 : i32
    %dma_wait3A_400 = tpu.memref_slice %arg4[%multiple_of3A_388, %dma_wait3A_399] : memref<819200x64xf32, #tpu.memory_space<hbm>> -> memref<128x64xf32, #tpu.memory_space<hbm>>
    %dma_wait3A_401 = arith.constant 0 : i32
    %dma_wait3A_402 = arith.constant 0 : i32
    %dma_wait3A_403 = tpu.memref_slice %arg6[%dma_wait3A_389, %dma_wait3A_401, %dma_wait3A_402] : memref<8x128x64xf32, #tpu.memory_space<vmem>> -> memref<1x128x64xf32, #tpu.memory_space<vmem>>
    %dma_wait3A_404 = tpu.memref_squeeze %dma_wait3A_403 : memref<1x128x64xf32, #tpu.memory_space<vmem>> -> memref<128x64xf32, #tpu.memory_space<vmem>>
    tpu.wait_dma2 semaphore(%dma_wait3A_398 : memref<!tpu.dma_semaphore, #tpu.memory_space<semaphore_mem>>) src(%dma_wait3A_404 : memref<128x64xf32, #tpu.memory_space<vmem>>) dst(%dma_wait3A_400 : memref<128x64xf32, #tpu.memory_space<hbm>>)
    %add3A_405 = arith.constant 24704 : i32
    %add3A_406 = arith.addi %multiple_of3A, %add3A_405 : i32
    %multiple_of3A_407 = tpu.assume_multiple %add3A_406, 128 : i32
    %dma_wait3A_408 = arith.constant 1 : i32
    %dma_wait3A_409 = arith.constant 1 : i32
    %dma_wait3A_410 = arith.constant 0 : i32
    %dma_wait3A_411 = arith.constant 0 : i32
    %dma_wait3A_412 = tpu.memref_slice %arg6[%dma_wait3A_408, %dma_wait3A_410, %dma_wait3A_411] : memref<8x128x64xf32, #tpu.memory_space<vmem>> -> memref<1x128x64xf32, #tpu.memory_space<vmem>>
    %dma_wait3A_413 = tpu.memref_squeeze %dma_wait3A_412 : memref<1x128x64xf32, #tpu.memory_space<vmem>> -> memref<128x64xf32, #tpu.memory_space<vmem>>
    %dma_wait3A_414 = arith.constant 0 : i32
    %dma_wait3A_415 = tpu.memref_slice %arg4[%multiple_of3A_407, %dma_wait3A_414] : memref<819200x64xf32, #tpu.memory_space<hbm>> -> memref<128x64xf32, #tpu.memory_space<hbm>>
    %dma_wait3A_416 = tpu.memref_slice %arg9[%dma_wait3A_409] : memref<8x!tpu.dma_semaphore, #tpu.memory_space<semaphore_mem>> -> memref<1x!tpu.dma_semaphore, #tpu.memory_space<semaphore_mem>>
    %dma_wait3A_417 = tpu.memref_squeeze %dma_wait3A_416 : memref<1x!tpu.dma_semaphore, #tpu.memory_space<semaphore_mem>> -> memref<!tpu.dma_semaphore, #tpu.memory_space<semaphore_mem>>
    %dma_wait3A_418 = arith.constant 0 : i32
    %dma_wait3A_419 = tpu.memref_slice %arg4[%multiple_of3A_407, %dma_wait3A_418] : memref<819200x64xf32, #tpu.memory_space<hbm>> -> memref<128x64xf32, #tpu.memory_space<hbm>>
    %dma_wait3A_420 = arith.constant 0 : i32
    %dma_wait3A_421 = arith.constant 0 : i32
    %dma_wait3A_422 = tpu.memref_slice %arg6[%dma_wait3A_408, %dma_wait3A_420, %dma_wait3A_421] : memref<8x128x64xf32, #tpu.memory_space<vmem>> -> memref<1x128x64xf32, #tpu.memory_space<vmem>>
    %dma_wait3A_423 = tpu.memref_squeeze %dma_wait3A_422 : memref<1x128x64xf32, #tpu.memory_space<vmem>> -> memref<128x64xf32, #tpu.memory_space<vmem>>
    tpu.wait_dma2 semaphore(%dma_wait3A_417 : memref<!tpu.dma_semaphore, #tpu.memory_space<semaphore_mem>>) src(%dma_wait3A_423 : memref<128x64xf32, #tpu.memory_space<vmem>>) dst(%dma_wait3A_419 : memref<128x64xf32, #tpu.memory_space<hbm>>)
    %add3A_424 = arith.constant 24832 : i32
    %add3A_425 = arith.addi %multiple_of3A, %add3A_424 : i32
    %multiple_of3A_426 = tpu.assume_multiple %add3A_425, 128 : i32
    %dma_wait3A_427 = arith.constant 2 : i32
    %dma_wait3A_428 = arith.constant 2 : i32
    %dma_wait3A_429 = arith.constant 0 : i32
    %dma_wait3A_430 = arith.constant 0 : i32
    %dma_wait3A_431 = tpu.memref_slice %arg6[%dma_wait3A_427, %dma_wait3A_429, %dma_wait3A_430] : memref<8x128x64xf32, #tpu.memory_space<vmem>> -> memref<1x128x64xf32, #tpu.memory_space<vmem>>
    %dma_wait3A_432 = tpu.memref_squeeze %dma_wait3A_431 : memref<1x128x64xf32, #tpu.memory_space<vmem>> -> memref<128x64xf32, #tpu.memory_space<vmem>>
    %dma_wait3A_433 = arith.constant 0 : i32
    %dma_wait3A_434 = tpu.memref_slice %arg4[%multiple_of3A_426, %dma_wait3A_433] : memref<819200x64xf32, #tpu.memory_space<hbm>> -> memref<128x64xf32, #tpu.memory_space<hbm>>
    %dma_wait3A_435 = tpu.memref_slice %arg9[%dma_wait3A_428] : memref<8x!tpu.dma_semaphore, #tpu.memory_space<semaphore_mem>> -> memref<1x!tpu.dma_semaphore, #tpu.memory_space<semaphore_mem>>
    %dma_wait3A_436 = tpu.memref_squeeze %dma_wait3A_435 : memref<1x!tpu.dma_semaphore, #tpu.memory_space<semaphore_mem>> -> memref<!tpu.dma_semaphore, #tpu.memory_space<semaphore_mem>>
    %dma_wait3A_437 = arith.constant 0 : i32
    %dma_wait3A_438 = tpu.memref_slice %arg4[%multiple_of3A_426, %dma_wait3A_437] : memref<819200x64xf32, #tpu.memory_space<hbm>> -> memref<128x64xf32, #tpu.memory_space<hbm>>
    %dma_wait3A_439 = arith.constant 0 : i32
    %dma_wait3A_440 = arith.constant 0 : i32
    %dma_wait3A_441 = tpu.memref_slice %arg6[%dma_wait3A_427, %dma_wait3A_439, %dma_wait3A_440] : memref<8x128x64xf32, #tpu.memory_space<vmem>> -> memref<1x128x64xf32, #tpu.memory_space<vmem>>
    %dma_wait3A_442 = tpu.memref_squeeze %dma_wait3A_441 : memref<1x128x64xf32, #tpu.memory_space<vmem>> -> memref<128x64xf32, #tpu.memory_space<vmem>>
    tpu.wait_dma2 semaphore(%dma_wait3A_436 : memref<!tpu.dma_semaphore, #tpu.memory_space<semaphore_mem>>) src(%dma_wait3A_442 : memref<128x64xf32, #tpu.memory_space<vmem>>) dst(%dma_wait3A_438 : memref<128x64xf32, #tpu.memory_space<hbm>>)
    %add3A_443 = arith.constant 24960 : i32
    %add3A_444 = arith.addi %multiple_of3A, %add3A_443 : i32
    %multiple_of3A_445 = tpu.assume_multiple %add3A_444, 128 : i32
    %dma_wait3A_446 = arith.constant 3 : i32
    %dma_wait3A_447 = arith.constant 3 : i32
    %dma_wait3A_448 = arith.constant 0 : i32
    %dma_wait3A_449 = arith.constant 0 : i32
    %dma_wait3A_450 = tpu.memref_slice %arg6[%dma_wait3A_446, %dma_wait3A_448, %dma_wait3A_449] : memref<8x128x64xf32, #tpu.memory_space<vmem>> -> memref<1x128x64xf32, #tpu.memory_space<vmem>>
    %dma_wait3A_451 = tpu.memref_squeeze %dma_wait3A_450 : memref<1x128x64xf32, #tpu.memory_space<vmem>> -> memref<128x64xf32, #tpu.memory_space<vmem>>
    %dma_wait3A_452 = arith.constant 0 : i32
    %dma_wait3A_453 = tpu.memref_slice %arg4[%multiple_of3A_445, %dma_wait3A_452] : memref<819200x64xf32, #tpu.memory_space<hbm>> -> memref<128x64xf32, #tpu.memory_space<hbm>>
    %dma_wait3A_454 = tpu.memref_slice %arg9[%dma_wait3A_447] : memref<8x!tpu.dma_semaphore, #tpu.memory_space<semaphore_mem>> -> memref<1x!tpu.dma_semaphore, #tpu.memory_space<semaphore_mem>>
    %dma_wait3A_455 = tpu.memref_squeeze %dma_wait3A_454 : memref<1x!tpu.dma_semaphore, #tpu.memory_space<semaphore_mem>> -> memref<!tpu.dma_semaphore, #tpu.memory_space<semaphore_mem>>
    %dma_wait3A_456 = arith.constant 0 : i32
    %dma_wait3A_457 = tpu.memref_slice %arg4[%multiple_of3A_445, %dma_wait3A_456] : memref<819200x64xf32, #tpu.memory_space<hbm>> -> memref<128x64xf32, #tpu.memory_space<hbm>>
    %dma_wait3A_458 = arith.constant 0 : i32
    %dma_wait3A_459 = arith.constant 0 : i32
    %dma_wait3A_460 = tpu.memref_slice %arg6[%dma_wait3A_446, %dma_wait3A_458, %dma_wait3A_459] : memref<8x128x64xf32, #tpu.memory_space<vmem>> -> memref<1x128x64xf32, #tpu.memory_space<vmem>>
    %dma_wait3A_461 = tpu.memref_squeeze %dma_wait3A_460 : memref<1x128x64xf32, #tpu.memory_space<vmem>> -> memref<128x64xf32, #tpu.memory_space<vmem>>
    tpu.wait_dma2 semaphore(%dma_wait3A_455 : memref<!tpu.dma_semaphore, #tpu.memory_space<semaphore_mem>>) src(%dma_wait3A_461 : memref<128x64xf32, #tpu.memory_space<vmem>>) dst(%dma_wait3A_457 : memref<128x64xf32, #tpu.memory_space<hbm>>)
    %add3A_462 = arith.constant 25088 : i32
    %add3A_463 = arith.addi %multiple_of3A, %add3A_462 : i32
    %multiple_of3A_464 = tpu.assume_multiple %add3A_463, 128 : i32
    %dma_wait3A_465 = arith.constant 4 : i32
    %dma_wait3A_466 = arith.constant 4 : i32
    %dma_wait3A_467 = arith.constant 0 : i32
    %dma_wait3A_468 = arith.constant 0 : i32
    %dma_wait3A_469 = tpu.memref_slice %arg6[%dma_wait3A_465, %dma_wait3A_467, %dma_wait3A_468] : memref<8x128x64xf32, #tpu.memory_space<vmem>> -> memref<1x128x64xf32, #tpu.memory_space<vmem>>
    %dma_wait3A_470 = tpu.memref_squeeze %dma_wait3A_469 : memref<1x128x64xf32, #tpu.memory_space<vmem>> -> memref<128x64xf32, #tpu.memory_space<vmem>>
    %dma_wait3A_471 = arith.constant 0 : i32
    %dma_wait3A_472 = tpu.memref_slice %arg4[%multiple_of3A_464, %dma_wait3A_471] : memref<819200x64xf32, #tpu.memory_space<hbm>> -> memref<128x64xf32, #tpu.memory_space<hbm>>
    %dma_wait3A_473 = tpu.memref_slice %arg9[%dma_wait3A_466] : memref<8x!tpu.dma_semaphore, #tpu.memory_space<semaphore_mem>> -> memref<1x!tpu.dma_semaphore, #tpu.memory_space<semaphore_mem>>
    %dma_wait3A_474 = tpu.memref_squeeze %dma_wait3A_473 : memref<1x!tpu.dma_semaphore, #tpu.memory_space<semaphore_mem>> -> memref<!tpu.dma_semaphore, #tpu.memory_space<semaphore_mem>>
    %dma_wait3A_475 = arith.constant 0 : i32
    %dma_wait3A_476 = tpu.memref_slice %arg4[%multiple_of3A_464, %dma_wait3A_475] : memref<819200x64xf32, #tpu.memory_space<hbm>> -> memref<128x64xf32, #tpu.memory_space<hbm>>
    %dma_wait3A_477 = arith.constant 0 : i32
    %dma_wait3A_478 = arith.constant 0 : i32
    %dma_wait3A_479 = tpu.memref_slice %arg6[%dma_wait3A_465, %dma_wait3A_477, %dma_wait3A_478] : memref<8x128x64xf32, #tpu.memory_space<vmem>> -> memref<1x128x64xf32, #tpu.memory_space<vmem>>
    %dma_wait3A_480 = tpu.memref_squeeze %dma_wait3A_479 : memref<1x128x64xf32, #tpu.memory_space<vmem>> -> memref<128x64xf32, #tpu.memory_space<vmem>>
    tpu.wait_dma2 semaphore(%dma_wait3A_474 : memref<!tpu.dma_semaphore, #tpu.memory_space<semaphore_mem>>) src(%dma_wait3A_480 : memref<128x64xf32, #tpu.memory_space<vmem>>) dst(%dma_wait3A_476 : memref<128x64xf32, #tpu.memory_space<hbm>>)
    %add3A_481 = arith.constant 25216 : i32
    %add3A_482 = arith.addi %multiple_of3A, %add3A_481 : i32
    %multiple_of3A_483 = tpu.assume_multiple %add3A_482, 128 : i32
    %dma_wait3A_484 = arith.constant 5 : i32
    %dma_wait3A_485 = arith.constant 5 : i32
    %dma_wait3A_486 = arith.constant 0 : i32
    %dma_wait3A_487 = arith.constant 0 : i32
    %dma_wait3A_488 = tpu.memref_slice %arg6[%dma_wait3A_484, %dma_wait3A_486, %dma_wait3A_487] : memref<8x128x64xf32, #tpu.memory_space<vmem>> -> memref<1x128x64xf32, #tpu.memory_space<vmem>>
    %dma_wait3A_489 = tpu.memref_squeeze %dma_wait3A_488 : memref<1x128x64xf32, #tpu.memory_space<vmem>> -> memref<128x64xf32, #tpu.memory_space<vmem>>
    %dma_wait3A_490 = arith.constant 0 : i32
    %dma_wait3A_491 = tpu.memref_slice %arg4[%multiple_of3A_483, %dma_wait3A_490] : memref<819200x64xf32, #tpu.memory_space<hbm>> -> memref<128x64xf32, #tpu.memory_space<hbm>>
    %dma_wait3A_492 = tpu.memref_slice %arg9[%dma_wait3A_485] : memref<8x!tpu.dma_semaphore, #tpu.memory_space<semaphore_mem>> -> memref<1x!tpu.dma_semaphore, #tpu.memory_space<semaphore_mem>>
    %dma_wait3A_493 = tpu.memref_squeeze %dma_wait3A_492 : memref<1x!tpu.dma_semaphore, #tpu.memory_space<semaphore_mem>> -> memref<!tpu.dma_semaphore, #tpu.memory_space<semaphore_mem>>
    %dma_wait3A_494 = arith.constant 0 : i32
    %dma_wait3A_495 = tpu.memref_slice %arg4[%multiple_of3A_483, %dma_wait3A_494] : memref<819200x64xf32, #tpu.memory_space<hbm>> -> memref<128x64xf32, #tpu.memory_space<hbm>>
    %dma_wait3A_496 = arith.constant 0 : i32
    %dma_wait3A_497 = arith.constant 0 : i32
    %dma_wait3A_498 = tpu.memref_slice %arg6[%dma_wait3A_484, %dma_wait3A_496, %dma_wait3A_497] : memref<8x128x64xf32, #tpu.memory_space<vmem>> -> memref<1x128x64xf32, #tpu.memory_space<vmem>>
    %dma_wait3A_499 = tpu.memref_squeeze %dma_wait3A_498 : memref<1x128x64xf32, #tpu.memory_space<vmem>> -> memref<128x64xf32, #tpu.memory_space<vmem>>
    tpu.wait_dma2 semaphore(%dma_wait3A_493 : memref<!tpu.dma_semaphore, #tpu.memory_space<semaphore_mem>>) src(%dma_wait3A_499 : memref<128x64xf32, #tpu.memory_space<vmem>>) dst(%dma_wait3A_495 : memref<128x64xf32, #tpu.memory_space<hbm>>)
    %add3A_500 = arith.constant 25344 : i32
    %add3A_501 = arith.addi %multiple_of3A, %add3A_500 : i32
    %multiple_of3A_502 = tpu.assume_multiple %add3A_501, 128 : i32
    %dma_wait3A_503 = arith.constant 6 : i32
    %dma_wait3A_504 = arith.constant 6 : i32
    %dma_wait3A_505 = arith.constant 0 : i32
    %dma_wait3A_506 = arith.constant 0 : i32
    %dma_wait3A_507 = tpu.memref_slice %arg6[%dma_wait3A_503, %dma_wait3A_505, %dma_wait3A_506] : memref<8x128x64xf32, #tpu.memory_space<vmem>> -> memref<1x128x64xf32, #tpu.memory_space<vmem>>
    %dma_wait3A_508 = tpu.memref_squeeze %dma_wait3A_507 : memref<1x128x64xf32, #tpu.memory_space<vmem>> -> memref<128x64xf32, #tpu.memory_space<vmem>>
    %dma_wait3A_509 = arith.constant 0 : i32
    %dma_wait3A_510 = tpu.memref_slice %arg4[%multiple_of3A_502, %dma_wait3A_509] : memref<819200x64xf32, #tpu.memory_space<hbm>> -> memref<128x64xf32, #tpu.memory_space<hbm>>
    %dma_wait3A_511 = tpu.memref_slice %arg9[%dma_wait3A_504] : memref<8x!tpu.dma_semaphore, #tpu.memory_space<semaphore_mem>> -> memref<1x!tpu.dma_semaphore, #tpu.memory_space<semaphore_mem>>
    %dma_wait3A_512 = tpu.memref_squeeze %dma_wait3A_511 : memref<1x!tpu.dma_semaphore, #tpu.memory_space<semaphore_mem>> -> memref<!tpu.dma_semaphore, #tpu.memory_space<semaphore_mem>>
    %dma_wait3A_513 = arith.constant 0 : i32
    %dma_wait3A_514 = tpu.memref_slice %arg4[%multiple_of3A_502, %dma_wait3A_513] : memref<819200x64xf32, #tpu.memory_space<hbm>> -> memref<128x64xf32, #tpu.memory_space<hbm>>
    %dma_wait3A_515 = arith.constant 0 : i32
    %dma_wait3A_516 = arith.constant 0 : i32
    %dma_wait3A_517 = tpu.memref_slice %arg6[%dma_wait3A_503, %dma_wait3A_515, %dma_wait3A_516] : memref<8x128x64xf32, #tpu.memory_space<vmem>> -> memref<1x128x64xf32, #tpu.memory_space<vmem>>
    %dma_wait3A_518 = tpu.memref_squeeze %dma_wait3A_517 : memref<1x128x64xf32, #tpu.memory_space<vmem>> -> memref<128x64xf32, #tpu.memory_space<vmem>>
    tpu.wait_dma2 semaphore(%dma_wait3A_512 : memref<!tpu.dma_semaphore, #tpu.memory_space<semaphore_mem>>) src(%dma_wait3A_518 : memref<128x64xf32, #tpu.memory_space<vmem>>) dst(%dma_wait3A_514 : memref<128x64xf32, #tpu.memory_space<hbm>>)
    %add3A_519 = arith.constant 25472 : i32
    %add3A_520 = arith.addi %multiple_of3A, %add3A_519 : i32
    %multiple_of3A_521 = tpu.assume_multiple %add3A_520, 128 : i32
    %dma_wait3A_522 = arith.constant 7 : i32
    %dma_wait3A_523 = arith.constant 7 : i32
    %dma_wait3A_524 = arith.constant 0 : i32
    %dma_wait3A_525 = arith.constant 0 : i32
    %dma_wait3A_526 = tpu.memref_slice %arg6[%dma_wait3A_522, %dma_wait3A_524, %dma_wait3A_525] : memref<8x128x64xf32, #tpu.memory_space<vmem>> -> memref<1x128x64xf32, #tpu.memory_space<vmem>>
    %dma_wait3A_527 = tpu.memref_squeeze %dma_wait3A_526 : memref<1x128x64xf32, #tpu.memory_space<vmem>> -> memref<128x64xf32, #tpu.memory_space<vmem>>
    %dma_wait3A_528 = arith.constant 0 : i32
    %dma_wait3A_529 = tpu.memref_slice %arg4[%multiple_of3A_521, %dma_wait3A_528] : memref<819200x64xf32, #tpu.memory_space<hbm>> -> memref<128x64xf32, #tpu.memory_space<hbm>>
    %dma_wait3A_530 = tpu.memref_slice %arg9[%dma_wait3A_523] : memref<8x!tpu.dma_semaphore, #tpu.memory_space<semaphore_mem>> -> memref<1x!tpu.dma_semaphore, #tpu.memory_space<semaphore_mem>>
    %dma_wait3A_531 = tpu.memref_squeeze %dma_wait3A_530 : memref<1x!tpu.dma_semaphore, #tpu.memory_space<semaphore_mem>> -> memref<!tpu.dma_semaphore, #tpu.memory_space<semaphore_mem>>
    %dma_wait3A_532 = arith.constant 0 : i32
    %dma_wait3A_533 = tpu.memref_slice %arg4[%multiple_of3A_521, %dma_wait3A_532] : memref<819200x64xf32, #tpu.memory_space<hbm>> -> memref<128x64xf32, #tpu.memory_space<hbm>>
    %dma_wait3A_534 = arith.constant 0 : i32
    %dma_wait3A_535 = arith.constant 0 : i32
    %dma_wait3A_536 = tpu.memref_slice %arg6[%dma_wait3A_522, %dma_wait3A_534, %dma_wait3A_535] : memref<8x128x64xf32, #tpu.memory_space<vmem>> -> memref<1x128x64xf32, #tpu.memory_space<vmem>>
    %dma_wait3A_537 = tpu.memref_squeeze %dma_wait3A_536 : memref<1x128x64xf32, #tpu.memory_space<vmem>> -> memref<128x64xf32, #tpu.memory_space<vmem>>
    tpu.wait_dma2 semaphore(%dma_wait3A_531 : memref<!tpu.dma_semaphore, #tpu.memory_space<semaphore_mem>>) src(%dma_wait3A_537 : memref<128x64xf32, #tpu.memory_space<vmem>>) dst(%dma_wait3A_533 : memref<128x64xf32, #tpu.memory_space<hbm>>)
    return
  }
}

</mosaic_0001>

<sc_bundles>
// kernel: kernel.3.cloned.1.call-start
scs
__scs_entry_jumppad:
0x0: {  	(pc) =	sbr.rel $0x88, $3  }
0x1: {  	(tag) =	ssettag $0x0;
	lr =	simm.s32 $0x1  }
0x2: {  	[smem:$0x3F9F] =	sst lr;
	_ =	strace $0xD0000000  }
0x3: {  	_ = 	snop  }
0x4: {  	_ = 	snop  }
0x5: {  	_ = 	snop  }
0x6: {  	_ = 	snop  }
0x7: {  	_ = 	snop  }
__scs_overlays_trampoline_lowered:
0x8: {  	[smem:$0x3FAE] =	sst s0  }
0x9: {  	[smem:$0x3FAF] =	sst s1  }
0xa: {  	[smem:$0x3FB0] =	sst s2  }
0xb: {  	[smem:$0x3FB1] =	sst s3  }
0xc: {  	[smem:$0x3FB2] =	sst s4  }
0xd: {  	[smem:$0x3FB3] =	sst s5  }
0xe: {  	[smem:$0x3FB4] =	sst s6  }
0xf: {  	[smem:$0x3FB5] =	sst s7  }
0x10: {  	[smem:$0x3FB6] =	sst s8  }
0x11: {  	[smem:$0x3FB7] =	sst s9;
	s0 =	simm.s32 @!p0 $0x0  }
0x12: {  	s1 =	sld [smem:$0x3F9D];
	s0 =	simm.s32 @p0 $0x1  }
0x13: {  	[smem:$0x3FB8] =	sst s0;
	s0 =	simm.s32 @!p1 $0x0  }
0x14: {  	s2 =	sld [smem:$0x3F9C];
	s0 =	simm.s32 @p1 $0x1  }
0x15: {  	[smem:$0x3FB9] =	sst s0;
	s0 =	simm.s32 @!p2 $0x0  }
0x16: {  	s3 =	sld [smem:$0x3FDB];
	s0 =	simm.s32 @p2 $0x1  }
0x17: {  	s4 =	simm.s32 $0x1BF5;
	[smem:$0x3FBB] =	sst s0  }
0x18: {  	s0 =	sld [smem:$0x3F9E];
	_ =	swait.ge [sflag:s4], $0x0  }
0x19: {  	s7 =	sld [smem:$0x3F9F]  }
0x1a: {  	s8 =	sadd.s32 $0xFFFFE003, lr  }
0x1b: {  	s9 =	sadd.s32 $0xFFFFFEF7, lr;
	s5 =	simm.s32 $0xFFFFFFFF;
	p2 =	slt.u32 s8, $0xFFFFF086  }
0x1c: {  	p1 =	slt.u32 s9, $0xF7A;
	s5 =	simm.s32 @!p2 $0x0  }
0x1d: {  	s5 =	simm.s32 @p1 $0x1;
	p0 =	seq.s32 s7, s2  }
0x1e: {  	s7 =	smul.u32 @!p0 $0xF7A, s2;
	p2 =	seq.s32 @!p0 s5, $0x0  }
0x1f: {  	s9 =	smul.u32 $0xF7A, s1;
	s8 =	simm.s32 @!p0 $0x1BF5;
	p2 =	por !p2, p0  }
0x20: {  	[sflag:s8] =	ssyncset.s32 @!p0 $0xFFFFF086;
	s6 =	sadd.s32 @!p0 s3, s7;
	s7 =	simm.s32 @!p0 $0x108  }
0x21: {  	s3 =	sadd.s32 s3, s9;
	s6 =	sadd.s32 @!p0 $0x88, s6;
	s7 =	simm.s32 @p2 $0x1082  }
0x22: {  	[simem:s7], [sflag:s8] =	dma.local @!p0 [hbm:s6], $0xF7A  }
0x23: {  	s9 =	sor.u32 $0xD0000000, s2;
	s6 =	simm.s32 $0x108;
	_ =	swait.ge @!p0 [sflag:s8], $0x0  }
0x24: {  	s3 =	sadd.s32 $0x88, s3;
	s6 =	simm.s32 @!p1 $0x1082;
	[sflag:s4] =	ssyncset.s32 $0xFFFFF086  }
0x25: {  	[simem:s6], [sflag:s4] =	dma.local [hbm:s3], $0xF7A  }
0x26: {  	[smem:$0x3F9F] =	sst s1;
	(tag) =	ssettag s2;
	_ =	strace s9  }
0x27: {  	s1 =	sld [smem:$0x3FAF]  }
0x28: {  	s2 =	sld [smem:$0x3FB0]  }
0x29: {  	s4 =	sld [smem:$0x3FB2]  }
0x2a: {  	p0 =	seq.s32 s5, $0x0;
	s5 =	sld [smem:$0x3FB3]  }
0x2b: {  	s6 =	sld [smem:$0x3FB4]  }
0x2c: {  	s7 =	sld [smem:$0x3FB5]  }
0x2d: {  	s3 =	simm.s32 $0x108;
	s8 =	sld [smem:$0x3FB6]  }
0x2e: {  	s3 =	simm.s32 @!p0 $0x1082;
	s9 =	sld [smem:$0x3FB7]  }
0x2f: {  	lr =	sadd.s32 s0, s3;
	s0 =	sld [smem:$0x3FAE]  }
0x30: {  	s3 =	sld [smem:$0x3FB1]  }
0x31: {  	[smem:$0x3FBA] =	sst s10  }
0x32: {  	s10 =	sld [smem:$0x3FB8];
	_ =	sdelay $0x3  }
0x33: {  	p0 =	seq.s32 s10, $0x1;
	s10 =	sld [smem:$0x3FBA];
	_ =	sdelay $0x3  }
0x34: {  	[smem:$0x3FBA] =	sst s10  }
0x35: {  	s10 =	sld [smem:$0x3FB9];
	_ =	sdelay $0x3  }
0x36: {  	p1 =	seq.s32 s10, $0x1;
	s10 =	sld [smem:$0x3FBA];
	_ =	sdelay $0x3  }
0x37: {  	[smem:$0x3FBA] =	sst s10  }
0x38: {  	s10 =	sld [smem:$0x3FBB]  }
0x39: {  	_ = 	snop;
	(pc) =	sbr.ind lr, $3  }
0x3a: {  	_ = 	snop  }
0x3b: {  	_ = 	snop  }
0x3c: {  	p2 =	seq.s32 s10, $0x1;
	s10 =	sld [smem:$0x3FBA]  }
0x3d: {  	_ =	shalt  }
0x3e: {  	_ =	shalt  }
0x3f: {  	_ =	shalt  }
0x40: {  	_ =	shalt  }
0x41: {  	_ =	shalt  }
0x42: {  	_ =	shalt  }
0x43: {  	_ =	shalt  }
0x44: {  	_ =	shalt  }
0x45: {  	_ =	shalt  }
0x46: {  	_ =	shalt  }
0x47: {  	_ =	shalt  }
0x48: {  	_ =	shalt  }
0x49: {  	_ =	shalt  }
0x4a: {  	_ =	shalt  }
0x4b: {  	_ =	shalt  }
0x4c: {  	_ =	shalt  }
0x4d: {  	_ =	shalt  }
0x4e: {  	_ =	shalt  }
0x4f: {  	_ =	shalt  }
0x50: {  	_ =	shalt  }
0x51: {  	_ =	shalt  }
0x52: {  	_ =	shalt  }
0x53: {  	_ =	shalt  }
0x54: {  	_ =	shalt  }
0x55: {  	_ =	shalt  }
0x56: {  	_ =	shalt  }
0x57: {  	_ =	shalt  }
0x58: {  	_ =	shalt  }
0x59: {  	_ =	shalt  }
0x5a: {  	_ =	shalt  }
0x5b: {  	_ =	shalt  }
0x5c: {  	_ =	shalt  }
0x5d: {  	_ =	shalt  }
0x5e: {  	_ =	shalt  }
0x5f: {  	_ =	shalt  }
0x60: {  	_ =	shalt  }
0x61: {  	_ =	shalt  }
0x62: {  	_ =	shalt  }
0x63: {  	_ =	shalt  }
0x64: {  	_ =	shalt  }
0x65: {  	_ =	shalt  }
0x66: {  	_ =	shalt  }
0x67: {  	_ =	shalt  }
0x68: {  	_ =	shalt  }
0x69: {  	_ =	shalt  }
0x6a: {  	_ =	shalt  }
0x6b: {  	_ =	shalt  }
0x6c: {  	_ =	shalt  }
0x6d: {  	_ =	shalt  }
0x6e: {  	_ =	shalt  }
0x6f: {  	_ =	shalt  }
0x70: {  	_ =	shalt  }
0x71: {  	_ =	shalt  }
0x72: {  	_ =	shalt  }
0x73: {  	_ =	shalt  }
0x74: {  	_ =	shalt  }
0x75: {  	_ =	shalt  }
0x76: {  	_ =	shalt  }
0x77: {  	_ =	shalt  }
0x78: {  	_ =	shalt  }
0x79: {  	_ =	shalt  }
0x7a: {  	_ =	shalt  }
0x7b: {  	_ =	shalt  }
0x7c: {  	_ =	shalt  }
0x7d: {  	_ =	shalt  }
0x7e: {  	_ =	shalt  }
0x7f: {  	_ =	shalt  }
0x80: {  	_ =	shalt  }
0x81: {  	_ =	shalt  }
0x82: {  	_ =	shalt  }
0x83: {  	_ =	shalt  }
0x84: {  	_ =	shalt  }
0x85: {  	_ =	shalt  }
0x86: {  	_ =	shalt  }
0x87: {  	_ =	shalt  }
.Lfunc_end0:
.L_simem_size_0:
called_computation.1_lowered:
.L_overlay_start_0:
0x88: {  	s2 =	sld [smem:$0x3FD9]  }
0x89: {  	s3 =	sld [smem:$0x3FFE];
	_ =	sdelay $0x1  }
0x8a: {  	s1 =	srdreg.scid  }
0x8b: {  	s0 =	sand.u32 $0x1, s1  }
0x8c: {  	s17 =	sshll.u32 s0, $0xA;
	s2 =	sadd.s32 s3, s2  }
0x8d: {  	s2 =	sadd.s32 s2, s17  }
0x8e: {  	[smem:$0x3FC6] =	sst s2  }
0x8f: {  	_ = 	snop  }
0x90: {  	s2 =	sld [smem:$0x3FD0];
	(tm) =	ssettm $0x1  }
0x91: {  	s18 =	sld [smem:$0x3FFB];
	_ =	sdelay $0x3  }
0x92: {  	_ =	strace s18  }
0x93: {  	s3 =	sld [smem:$0x3FFC];
	_ =	sdelay $0x3  }
0x94: {  	_ =	strace s3  }
0x95: {  	s3 =	sld [smem:$0x3FFD];
	_ =	sdelay $0x3  }
0x96: {  	_ =	strace s3  }
0x97: {  	_ =	strace $0x8FFFFFFF  }
0x98: {  	s19 =	sld [smem:$0x3FDB];
	_ =	sdelay $0x1  }
0x99: {  	s4 =	simm.s32 $_scs_section_size  }
0x9a: {  	s5 =	simm.s32 $_size__tile_overlayer_lowered;
	s6 =	simm.s32 $_tile_overlayer_lowered  }
0x9b: {  	s22 =	simm.s32 $0x1BFF;
	s21 =	sshll.u32 s6, $0x1;
	s3 =	sadd.s32 s4, s19  }
0x9c: {  	s7 =	simm.s32 $0x0;
	s20 =	sshll.u32 s5, $0x1;
	s5 =	sadd.s32 s21, s3  }
0x9d: {  	[timem:s7], [sflag:s22] =	dma.local [hbm:s5], s20  }
0x9e: {  	_ =	swait.ge [sflag:s22], s20  }
0x9f: {  	s4 =	ssub.s32 $0x0, s20;
	[sflag:s22] =	ssyncset.done $0x0  }
0xa0: {  	[sflag:s22] =	ssyncadd.s32 s4;
	_ =	sdelay $0x1  }
0xa1: {  	s23 =	simm.s32 $0x1B8B  }
0xa2: {  	_ =	swait.ge [sflag:s23], $0x1  }
0xa3: {  	[sflag:s23] =	ssyncset.done $0x0  }
0xa4: {  	s25 =	simm.s32 $0x1B8E;
	s24 =	sld [smem:$0x3FFE];
	[sflag:s23] =	ssyncadd.s32 $0xFFFFFFFF  }
0xa5: {  	s26 =	simm.s32 $execute0_lowered;
	[smem:$0x3FD2] =	sst s25  }
0xa6: {  	s5 =	sshll.u32 s26, $0x1;
	_ =	strace $0x80000046;
	[dreg:$0x1] =	wrdreg $0xFFFFFFFF  }
0xa7: {  	s28 =	simm.s32 $_size_execute0_lowered;
	s3 =	sadd.s32 s3, s5;
	[dreg:$0x0] =	wrdreg $0x0  }
0xa8: {  	s5 =	sshll.u32 s28, $0x1;
	[dreg:$0x2] =	wrdreg s3  }
0xa9: {  	[dreg:$0x3] =	wrdreg s5  }
0xaa: {  	[dreg:$0x4] =	wrdreg $0xC0  }
0xab: {  	_ =	task [dreg:s7], $0x5FFFF  }
0xac: {  	[dreg:$0x1] =	wrdreg $0xFFFFFFFF  }
0xad: {  	[dreg:$0x0] =	wrdreg $0x60  }
0xae: {  	[dreg:$0x2] =	wrdreg s24  }
0xaf: {  	[dreg:$0x3] =	wrdreg s2  }
0xb0: {  	[dreg:$0x4] =	wrdreg $0x9  }
0xb1: {  	_ =	task.clear_ibuf [dreg:s7], $0x5FFFF;
	_ =	strace $0x90000046  }
0xb2: {  	s29 =	simm.s32 $0x9;
	_ =	strace $0x80000048  }
0xb3: {  	_ =	swait.ge [sflag:s29], $0x1  }
0xb4: {  	[sflag:s29] =	ssyncadd.s32 $0xFFFFFFFF  }
0xb5: {  	_ =	strace $0x90000048  }
0xb6: {  	_ =	sfence  }
0xb7: {  	s30 =	sld [smem:$0x0];
	_ =	sdelay $0x2  }
0xb8: {  	s31 =	sshll.u32 s1, $0xD;
	s1 =	sshrl.u32 s1, $0x2  }
0xb9: {  	s3 =	sand.u32 $0x4000, s31;
	s1 =	sadd.s32 s1, s30  }
0xba: {  	s0 =	sor.u32 s3, s0;
	s1 =	sshll.u32 s1, $0x11  }
0xbb: {  	s0 =	sor.u32 s1, s0  }
0xbc: {  	s0 =	sadd.s32 $0x8F2B, s0  }
0xbd: {  	[sflag:s0] =	ssyncadd.remote.s32 $0x1  }
0xbe: {  	_ =	sfence.sel $0xFFFF  }
0xbf: {  	[dreg:$0x0] =	wrdreg $0xFFFFFFFF;
	(pc) =	sbr.abs _section_cstart, $3  }
0xc0: {  	[dreg:$0x1] =	wrdreg $0xFFFFFFFF  }
0xc1: {  	_ =	task.clear_ibuf [dreg:s7], $0x2FFFF;
	_ =	strace $0x9FFFFFFF  }
0xc2: {  	(tm) =	ssettm $0x7FFFFFFF  }
0xc3: {  	_ =	shalt  }
tec
execute0_lowered:
.L_overlay_start_1:
0x0: {  	(tag) =	ssettag $0x1  }
0x1: {  	s9 =	stileid.u32  }
0x2: {  	s0 =	srdreg.scid;
	s6 =	smul.u32 $0x320000, s9  }
0x3: {  	s0 =	sand.u32 $0x1, s0;
	s2 =	sshll.u32 s9, $0x1;
	s9 =	smul.u32 $0xC800, s9  }
0x4: {  	s1 =	rddreg [dreg:$0x0];
	s7 =	smul.u32 $0x190000, s0  }
0x5: {  	s5 =	sor.u32 s0, s2;
	s8 =	ssub.s32 $0x2, s0;
	s0 =	smul.u32 $0x6400, s0  }
0x6: {  	s4 =	rddreg [dreg:$0x1];
	s2 =	simm.s32 $0x0;
	s3 =	smul.u32 $0x6400, s5  }
0x7: {  	[smem:$0x7FF] =	sst s2;
	s11 =	sshrl.u32 s8, $0x1;
	s5 =	smul.u32 $0x190000, s5  }
0x8: {  	_ =	strace $0x80000047;
	s12 =	ssub.s32 s8, s11;
	s6 =	sadd.s32 s7, s6  }
0x9: {  	s0 =	sadd.s32 s0, s9;
	s3 =	sshrl.u32 s3, $0x3;
	s6 =	sshrl.u32 s6, $0x3  }
0xa: {  	s5 =	sshrl.u32 s5, $0x3;
	s10 =	sadd.s32 s3, s1;
	s6 =	sadd.s32 s6, s4  }
0xb: {  	s3 =	sadd.s32 $0xF42E00, s1;
	s1 =	smax.u32 s12, $0x1;
	[dreg:$0x3] =	wrdreg s6  }
0xc: {  	s5 =	sadd.s32 s4, s5;
	s13 =	sadd.s32 $0xA00, s10;
	[dreg:$0x14] =	wrdreg s1  }
0xd: {  	s0 =	sshll.u32 s0, $0x3;
	s14 =	sadd.s32 $0x30000, s5;
	[dreg:$0xb] =	wrdreg s13  }
0xe: {  	s0 =	sadd.s32 s0, s4;
	s16 =	sadd.s32 $0x30400, s5;
	[dreg:$0xc] =	wrdreg s14  }
0xf: {  	s15 =	sadd.s32 $0x1C00, s0;
	[dreg:$0xd] =	wrdreg s16  }
0x10: {  	s18 =	sadd.s32 $0x30800, s5;
	[dreg:$0x4] =	wrdreg s15  }
0x11: {  	s29 =	simm.s32 $0xA;
	s17 =	sadd.s32 $0x1800, s0;
	[dreg:$0xe] =	wrdreg s18  }
0x12: {  	s31 =	simm.s32 $0x14400;
	s20 =	sadd.s32 $0x30C00, s5;
	[dreg:$0x5] =	wrdreg s17  }
0x13: {  	s30 =	simm.s32 $0x12400;
	s19 =	sadd.s32 $0x1400, s0;
	[dreg:$0xf] =	wrdreg s20  }
0x14: {  	s7 =	simm.s32 $0xE;
	s22 =	sadd.s32 $0x31000, s5;
	[dreg:$0x6] =	wrdreg s19  }
0x15: {  	s8 =	simm.s32 $0xF;
	s21 =	sadd.s32 $0x1000, s0;
	[dreg:$0x10] =	wrdreg s22  }
0x16: {  	s9 =	simm.s32 $0x10;
	s24 =	sadd.s32 $0x31400, s5;
	[dreg:$0x7] =	wrdreg s21  }
0x17: {  	s4 =	simm.s32 $0xB;
	s23 =	sadd.s32 $0xC00, s0;
	[dreg:$0x11] =	wrdreg s24  }
0x18: {  	s12 =	simm.s32 $0x0;
	s26 =	sadd.s32 $0x31800, s5;
	[dreg:$0x8] =	wrdreg s23  }
0x19: {  	s25 =	sadd.s32 $0x800, s0;
	s0 =	sadd.s32 $0x400, s0;
	[dreg:$0x12] =	wrdreg s26  }
0x1a: {  	s28 =	sadd.s32 $0x31C00, s5;
	s1 =	simm.s32 $0x3;
	[dreg:$0x9] =	wrdreg s25  }
0x1b: {  	s5 =	simm.s32 $0xC;
	s6 =	simm.s32 $0xD;
	[dreg:$0x13] =	wrdreg s28  }
0x1c: {  	s10 =	simm.s32 $0x11;
	[dreg:$0xa] =	wrdreg s0;
	s15 =	simm.s32 $0x80  }
0x1d: {  	s0 =	simm.s32 $0x4;
	s18 =	simm.s32 $0x5;
	s20 =	simm.s32 $0x6  }
0x1e: {  	s22 =	simm.s32 $0x7;
	s24 =	simm.s32 $0x8;
	s26 =	simm.s32 $0x9  }
.LBB2_1:
0x1f: {  	[dreg:$0x15] =	wrdreg s12  }
0x20: {  	s11 =	rddreg [dreg:$0xb];
	s14 =	simm.s32 $0x1  }
0x21: {  	[tilespmem:s2], [sflag:$0x1] =	stream.linear.gather [hbm4b:s11+s2], $0x6400, $0x38;
	[tilespmem:$0x16400] =	vst v63  }
0x22: {  	_ =	swait.ge [sflag:s14], $0x6400  }
0x23: {  	[sflag:s14] =	ssyncset.done $0x0  }
0x24: {  	s12 =	simm.s32 $0x6400;
	[sflag:s14] =	ssyncadd.s32 $0xFFFF9C00  }
0x25: {  	[tilespmem:s12], [sflag:$0x2] =	stream.indirect.gather [hbm4b:s3+s15], $0x40, s2, s15, $0xb8;
	[tilespmem:$0x16400] =	vst v63  }
0x26: {  	s13 =	simm.s32 $0x8400  }
0x27: {  	[tilespmem:s13], [sflag:$0x3] =	stream.indirect.gather [hbm4b:s3+s15], $0x40, s15, s15, $0xb8;
	[tilespmem:$0x16400] =	vst v63  }
0x28: {  	s16 =	simm.s32 $0x100;
	s14 =	simm.s32 $0xA400  }
0x29: {  	[tilespmem:s14], [sflag:$0x4] =	stream.indirect.gather [hbm4b:s3+s15], $0x40, s16, s15, $0xb8;
	[tilespmem:$0x16400] =	vst v63  }
0x2a: {  	s17 =	simm.s32 $0x180;
	s16 =	simm.s32 $0xC400  }
0x2b: {  	[tilespmem:s16], [sflag:$0x5] =	stream.indirect.gather [hbm4b:s3+s15], $0x40, s17, s15, $0xb8;
	[tilespmem:$0x16400] =	vst v63  }
0x2c: {  	s19 =	simm.s32 $0x200;
	s17 =	simm.s32 $0xE400  }
0x2d: {  	[tilespmem:s17], [sflag:$0x6] =	stream.indirect.gather [hbm4b:s3+s15], $0x40, s19, s15, $0xb8;
	[tilespmem:$0x16400] =	vst v63  }
0x2e: {  	s21 =	simm.s32 $0x280;
	s19 =	simm.s32 $0x10400  }
0x2f: {  	[tilespmem:s19], [sflag:$0x7] =	stream.indirect.gather [hbm4b:s3+s15], $0x40, s21, s15, $0xb8;
	[tilespmem:$0x16400] =	vst v63  }
0x30: {  	s23 =	simm.s32 $0x300;
	s21 =	simm.s32 $0x12400  }
0x31: {  	[tilespmem:s21], [sflag:$0x8] =	stream.indirect.gather [hbm4b:s3+s15], $0x40, s23, s15, $0xb8;
	[tilespmem:$0x16400] =	vst v63  }
0x32: {  	s25 =	simm.s32 $0x380;
	s23 =	simm.s32 $0x14400  }
0x33: {  	[tilespmem:s23], [sflag:$0x9] =	stream.indirect.gather [hbm4b:s3+s15], $0x40, s25, s15, $0xb8;
	[tilespmem:$0x16400] =	vst v63  }
0x34: {  	s25 =	simm.s32 $0x2  }
0x35: {  	_ =	swait.ge [sflag:s25], $0x2000  }
0x36: {  	s28 =	rddreg [dreg:$0x3];
	[sflag:s25] =	ssyncset.done $0x0  }
0x37: {  	[sflag:s25] =	ssyncadd.s32 $0xFFFFE000;
	s11 =	sadd.s32 $0x0, s28  }
0x38: {  	[hbm4b:s11+s2] =	stream.linear.scatter [tilespmem:s12], [sflag:$0xA], $0x2000, $0x38;
	[tilespmem:$0x16400] =	vst v63  }
0x39: {  	_ =	swait.ge [sflag:s1], $0x2000  }
0x3a: {  	s25 =	rddreg [dreg:$0xa];
	[sflag:s1] =	ssyncset.done $0x0  }
0x3b: {  	[sflag:s1] =	ssyncadd.s32 $0xFFFFE000;
	s11 =	sadd.s32 $0x0, s25  }
0x3c: {  	[hbm4b:s11+s2] =	stream.linear.scatter [tilespmem:s13], [sflag:$0xB], $0x2000, $0x38;
	[tilespmem:$0x16400] =	vst v63  }
0x3d: {  	_ =	swait.ge [sflag:s0], $0x2000  }
0x3e: {  	s28 =	rddreg [dreg:$0x9];
	[sflag:s0] =	ssyncset.done $0x0  }
0x3f: {  	[sflag:s0] =	ssyncadd.s32 $0xFFFFE000;
	s11 =	sadd.s32 $0x0, s28  }
0x40: {  	[hbm4b:s11+s2] =	stream.linear.scatter [tilespmem:s14], [sflag:$0xC], $0x2000, $0x38;
	[tilespmem:$0x16400] =	vst v63  }
0x41: {  	_ =	swait.ge [sflag:s18], $0x2000  }
0x42: {  	s25 =	rddreg [dreg:$0x8];
	[sflag:s18] =	ssyncset.done $0x0  }
0x43: {  	[sflag:s18] =	ssyncadd.s32 $0xFFFFE000;
	s11 =	sadd.s32 $0x0, s25  }
0x44: {  	[hbm4b:s11+s2] =	stream.linear.scatter [tilespmem:s16], [sflag:$0xD], $0x2000, $0x38;
	[tilespmem:$0x16400] =	vst v63  }
0x45: {  	_ =	swait.ge [sflag:s20], $0x2000  }
0x46: {  	s28 =	rddreg [dreg:$0x7];
	[sflag:s20] =	ssyncset.done $0x0  }
0x47: {  	[sflag:s20] =	ssyncadd.s32 $0xFFFFE000;
	s11 =	sadd.s32 $0x0, s28  }
0x48: {  	[hbm4b:s11+s2] =	stream.linear.scatter [tilespmem:s17], [sflag:$0xE], $0x2000, $0x38;
	[tilespmem:$0x16400] =	vst v63  }
0x49: {  	_ =	swait.ge [sflag:s22], $0x2000  }
0x4a: {  	s25 =	rddreg [dreg:$0x6];
	[sflag:s22] =	ssyncset.done $0x0  }
0x4b: {  	[sflag:s22] =	ssyncadd.s32 $0xFFFFE000;
	s11 =	sadd.s32 $0x0, s25  }
0x4c: {  	[hbm4b:s11+s2] =	stream.linear.scatter [tilespmem:s19], [sflag:$0xF], $0x2000, $0x38;
	[tilespmem:$0x16400] =	vst v63  }
0x4d: {  	_ =	swait.ge [sflag:s24], $0x2000  }
0x4e: {  	s28 =	rddreg [dreg:$0x5];
	[sflag:s24] =	ssyncset.done $0x0  }
0x4f: {  	[sflag:s24] =	ssyncadd.s32 $0xFFFFE000;
	s11 =	sadd.s32 $0x0, s28  }
0x50: {  	[hbm4b:s11+s2] =	stream.linear.scatter [tilespmem:s21], [sflag:$0x10], $0x2000, $0x38;
	[tilespmem:$0x16400] =	vst v63  }
0x51: {  	_ =	swait.ge [sflag:s26], $0x2000  }
0x52: {  	s25 =	rddreg [dreg:$0x4];
	[sflag:s26] =	ssyncset.done $0x0  }
0x53: {  	[sflag:s26] =	ssyncadd.s32 $0xFFFFE000;
	s11 =	sadd.s32 $0x0, s25  }
0x54: {  	[hbm4b:s11+s2] =	stream.linear.scatter [tilespmem:s23], [sflag:$0x11], $0x2000, $0x38;
	[tilespmem:$0x16400] =	vst v63  }
0x55: {  	_ =	swait.ge [sflag:s29], $0x2000  }
0x56: {  	[sflag:s29] =	ssyncset.done $0x0  }
0x57: {  	s28 =	simm.s32 $0x400;
	[sflag:s29] =	ssyncadd.s32 $0xFFFFE000  }
0x58: {  	[tilespmem:s12], [sflag:$0x2] =	stream.indirect.gather [hbm4b:s3+s15], $0x40, s28, s15, $0xb8;
	[tilespmem:$0x16400] =	vst v63  }
0x59: {  	_ =	swait.ge [sflag:s4], $0x2000  }
0x5a: {  	[sflag:s4] =	ssyncset.done $0x0  }
0x5b: {  	s12 =	simm.s32 $0x480;
	[sflag:s4] =	ssyncadd.s32 $0xFFFFE000  }
0x5c: {  	[tilespmem:s13], [sflag:$0x3] =	stream.indirect.gather [hbm4b:s3+s15], $0x40, s12, s15, $0xb8;
	[tilespmem:$0x16400] =	vst v63  }
0x5d: {  	_ =	swait.ge [sflag:s5], $0x2000  }
0x5e: {  	[sflag:s5] =	ssyncset.done $0x0  }
0x5f: {  	s13 =	simm.s32 $0x500;
	[sflag:s5] =	ssyncadd.s32 $0xFFFFE000  }
0x60: {  	[tilespmem:s14], [sflag:$0x4] =	stream.indirect.gather [hbm4b:s3+s15], $0x40, s13, s15, $0xb8;
	[tilespmem:$0x16400] =	vst v63  }
0x61: {  	_ =	swait.ge [sflag:s6], $0x2000  }
0x62: {  	[sflag:s6] =	ssyncset.done $0x0  }
0x63: {  	s14 =	simm.s32 $0x580;
	[sflag:s6] =	ssyncadd.s32 $0xFFFFE000  }
0x64: {  	[tilespmem:s16], [sflag:$0x5] =	stream.indirect.gather [hbm4b:s3+s15], $0x40, s14, s15, $0xb8;
	[tilespmem:$0x16400] =	vst v63  }
0x65: {  	_ =	swait.ge [sflag:s7], $0x2000  }
0x66: {  	[sflag:s7] =	ssyncset.done $0x0  }
0x67: {  	s23 =	simm.s32 $0x600;
	[sflag:s7] =	ssyncadd.s32 $0xFFFFE000  }
0x68: {  	[tilespmem:s17], [sflag:$0x6] =	stream.indirect.gather [hbm4b:s3+s15], $0x40, s23, s15, $0xb8;
	[tilespmem:$0x16400] =	vst v63  }
0x69: {  	_ =	swait.ge [sflag:s8], $0x2000  }
0x6a: {  	[sflag:s8] =	ssyncset.done $0x0  }
0x6b: {  	s25 =	simm.s32 $0x680;
	[sflag:s8] =	ssyncadd.s32 $0xFFFFE000  }
0x6c: {  	[tilespmem:s19], [sflag:$0x7] =	stream.indirect.gather [hbm4b:s3+s15], $0x40, s25, s15, $0xb8;
	[tilespmem:$0x16400] =	vst v63  }
0x6d: {  	_ =	swait.ge [sflag:s9], $0x2000  }
0x6e: {  	[sflag:s9] =	ssyncset.done $0x0  }
0x6f: {  	s28 =	simm.s32 $0x700;
	[sflag:s9] =	ssyncadd.s32 $0xFFFFE000  }
0x70: {  	[tilespmem:s21], [sflag:$0x8] =	stream.indirect.gather [hbm4b:s3+s15], $0x40, s28, s15, $0xb8;
	[tilespmem:$0x16400] =	vst v63  }
0x71: {  	_ =	swait.ge [sflag:s10], $0x2000  }
0x72: {  	s12 =	simm.s32 $0x780;
	[sflag:s10] =	ssyncset.done $0x0  }
0x73: {  	s13 =	simm.s32 $0x2000;
	s14 =	simm.s32 $0xB80;
	[sflag:s10] =	ssyncadd.s32 $0xFFFFE000  }
.LBB2_2:
0x74: {  	[tilespmem:s31], [sflag:$0x9] =	stream.indirect.gather [hbm4b:s3+s15], $0x40, s12, s15, $0xb8;
	[tilespmem:$0x16400] =	vst v63  }
0x75: {  	s17 =	simm.s32 $0x2  }
0x76: {  	_ =	swait.ge [sflag:s17], $0x2000  }
0x77: {  	s11 =	smov.u32 s13;
	s16 =	rddreg [dreg:$0x3];
	[sflag:s17] =	ssyncset.done $0x0  }
0x78: {  	[sflag:s17] =	ssyncadd.s32 $0xFFFFE000;
	s16 =	sadd.s32 s11, s16;
	s17 =	simm.s32 $0x6400  }
0x79: {  	[hbm4b:s16+s2] =	stream.linear.scatter [tilespmem:s17], [sflag:$0xA], $0x2000, $0x38;
	[tilespmem:$0x16400] =	vst v63  }
0x7a: {  	_ =	swait.ge [sflag:s1], $0x2000  }
0x7b: {  	s19 =	rddreg [dreg:$0xa];
	[sflag:s1] =	ssyncset.done $0x0  }
0x7c: {  	[sflag:s1] =	ssyncadd.s32 $0xFFFFE000;
	s16 =	sadd.s32 s11, s19;
	s19 =	simm.s32 $0x8400  }
0x7d: {  	[hbm4b:s16+s2] =	stream.linear.scatter [tilespmem:s19], [sflag:$0xB], $0x2000, $0x38;
	[tilespmem:$0x16400] =	vst v63  }
0x7e: {  	_ =	swait.ge [sflag:s0], $0x2000  }
0x7f: {  	s21 =	rddreg [dreg:$0x9];
	[sflag:s0] =	ssyncset.done $0x0  }
0x80: {  	[sflag:s0] =	ssyncadd.s32 $0xFFFFE000;
	s16 =	sadd.s32 s11, s21;
	s21 =	simm.s32 $0xA400  }
0x81: {  	[hbm4b:s16+s2] =	stream.linear.scatter [tilespmem:s21], [sflag:$0xC], $0x2000, $0x38;
	[tilespmem:$0x16400] =	vst v63  }
0x82: {  	_ =	swait.ge [sflag:s18], $0x2000  }
0x83: {  	s23 =	rddreg [dreg:$0x8];
	[sflag:s18] =	ssyncset.done $0x0  }
0x84: {  	[sflag:s18] =	ssyncadd.s32 $0xFFFFE000;
	s16 =	sadd.s32 s11, s23;
	s23 =	simm.s32 $0xC400  }
0x85: {  	[hbm4b:s16+s2] =	stream.linear.scatter [tilespmem:s23], [sflag:$0xD], $0x2000, $0x38;
	[tilespmem:$0x16400] =	vst v63  }
0x86: {  	_ =	swait.ge [sflag:s20], $0x2000  }
0x87: {  	s25 =	rddreg [dreg:$0x7];
	[sflag:s20] =	ssyncset.done $0x0  }
0x88: {  	[sflag:s20] =	ssyncadd.s32 $0xFFFFE000;
	s16 =	sadd.s32 s11, s25;
	s25 =	simm.s32 $0xE400  }
0x89: {  	[hbm4b:s16+s2] =	stream.linear.scatter [tilespmem:s25], [sflag:$0xE], $0x2000, $0x38;
	[tilespmem:$0x16400] =	vst v63  }
0x8a: {  	_ =	swait.ge [sflag:s22], $0x2000  }
0x8b: {  	s16 =	rddreg [dreg:$0x6];
	[sflag:s22] =	ssyncset.done $0x0  }
0x8c: {  	s28 =	simm.s32 $0x10400;
	[sflag:s22] =	ssyncadd.s32 $0xFFFFE000;
	s16 =	sadd.s32 s11, s16  }
0x8d: {  	[hbm4b:s16+s2] =	stream.linear.scatter [tilespmem:s28], [sflag:$0xF], $0x2000, $0x38;
	[tilespmem:$0x16400] =	vst v63  }
0x8e: {  	_ =	swait.ge [sflag:s24], $0x2000  }
0x8f: {  	s16 =	rddreg [dreg:$0x5];
	[sflag:s24] =	ssyncset.done $0x0  }
0x90: {  	[sflag:s24] =	ssyncadd.s32 $0xFFFFE000;
	s16 =	sadd.s32 s11, s16  }
0x91: {  	[hbm4b:s16+s2] =	stream.linear.scatter [tilespmem:s30], [sflag:$0x10], $0x2000, $0x38;
	[tilespmem:$0x16400] =	vst v63  }
0x92: {  	_ =	swait.ge [sflag:s26], $0x2000  }
0x93: {  	s16 =	rddreg [dreg:$0x4];
	[sflag:s26] =	ssyncset.done $0x0  }
0x94: {  	[sflag:s26] =	ssyncadd.s32 $0xFFFFE000;
	s11 =	sadd.s32 s11, s16  }
0x95: {  	[hbm4b:s11+s2] =	stream.linear.scatter [tilespmem:s31], [sflag:$0x11], $0x2000, $0x38;
	[tilespmem:$0x16400] =	vst v63  }
0x96: {  	_ =	swait.ge [sflag:s29], $0x2000  }
0x97: {  	[sflag:s29] =	ssyncset.done $0x0  }
0x98: {  	s11 =	sadd.s32 $0xFFFFFC80, s14;
	[sflag:s29] =	ssyncadd.s32 $0xFFFFE000  }
0x99: {  	[tilespmem:s17], [sflag:$0x2] =	stream.indirect.gather [hbm4b:s3+s15], $0x40, s11, s15, $0xb8;
	[tilespmem:$0x16400] =	vst v63  }
0x9a: {  	_ =	swait.ge [sflag:s4], $0x2000  }
0x9b: {  	[sflag:s4] =	ssyncset.done $0x0  }
0x9c: {  	s11 =	sadd.s32 $0xFFFFFD00, s14;
	[sflag:s4] =	ssyncadd.s32 $0xFFFFE000  }
0x9d: {  	[tilespmem:s19], [sflag:$0x3] =	stream.indirect.gather [hbm4b:s3+s15], $0x40, s11, s15, $0xb8;
	[tilespmem:$0x16400] =	vst v63  }
0x9e: {  	_ =	swait.ge [sflag:s5], $0x2000  }
0x9f: {  	[sflag:s5] =	ssyncset.done $0x0  }
0xa0: {  	s11 =	sadd.s32 $0xFFFFFD80, s14;
	[sflag:s5] =	ssyncadd.s32 $0xFFFFE000  }
0xa1: {  	[tilespmem:s21], [sflag:$0x4] =	stream.indirect.gather [hbm4b:s3+s15], $0x40, s11, s15, $0xb8;
	[tilespmem:$0x16400] =	vst v63  }
0xa2: {  	_ =	swait.ge [sflag:s6], $0x2000  }
0xa3: {  	[sflag:s6] =	ssyncset.done $0x0  }
0xa4: {  	s11 =	sadd.s32 $0xFFFFFE00, s14;
	[sflag:s6] =	ssyncadd.s32 $0xFFFFE000  }
0xa5: {  	[tilespmem:s23], [sflag:$0x5] =	stream.indirect.gather [hbm4b:s3+s15], $0x40, s11, s15, $0xb8;
	[tilespmem:$0x16400] =	vst v63  }
0xa6: {  	_ =	swait.ge [sflag:s7], $0x2000  }
0xa7: {  	[sflag:s7] =	ssyncset.done $0x0  }
0xa8: {  	s11 =	sadd.s32 $0xFFFFFE80, s14;
	[sflag:s7] =	ssyncadd.s32 $0xFFFFE000  }
0xa9: {  	[tilespmem:s25], [sflag:$0x6] =	stream.indirect.gather [hbm4b:s3+s15], $0x40, s11, s15, $0xb8;
	[tilespmem:$0x16400] =	vst v63  }
0xaa: {  	_ =	swait.ge [sflag:s8], $0x2000  }
0xab: {  	[sflag:s8] =	ssyncset.done $0x0  }
0xac: {  	s12 =	smov.u32 s14;
	s11 =	sadd.s32 $0xFFFFFF00, s14;
	[sflag:s8] =	ssyncadd.s32 $0xFFFFE000  }
0xad: {  	[tilespmem:s28], [sflag:$0x7] =	stream.indirect.gather [hbm4b:s3+s15], $0x40, s11, s15, $0xb8;
	[tilespmem:$0x16400] =	vst v63  }
0xae: {  	p0 =	sne.s32 s13, $0x2E000;
	s13 =	sadd.s32 $0x2000, s13;
	_ =	swait.ge [sflag:s9], $0x2000  }
0xaf: {  	s16 =	simm.s32 $0x6400;
	s17 =	simm.s32 $0x8400;
	[sflag:s9] =	ssyncset.done $0x0  }
.Ltmp0:
0xb0: {  	s11 =	sadd.s32 $0xFFFFFF80, s14;
	[sflag:s9] =	ssyncadd.s32 $0xFFFFE000;
	(pc) =	sbr.rel @p0 .LBB2_2-.Ltmp0, $4  }
0xb1: {  	[tilespmem:s30], [sflag:$0x8] =	stream.indirect.gather [hbm4b:s3+s15], $0x40, s11, s15, $0xb8;
	[tilespmem:$0x16400] =	vst v63  }
0xb2: {  	s19 =	simm.s32 $0xA400;
	s21 =	simm.s32 $0xC400;
	_ =	swait.ge [sflag:s10], $0x2000  }
0xb3: {  	s23 =	simm.s32 $0xE400;
	s25 =	simm.s32 $0x10400;
	[sflag:s10] =	ssyncset.done $0x0  }
0xb4: {  	s28 =	simm.s32 $0x12400;
	s14 =	sadd.s32 $0x400, s14;
	[sflag:s10] =	ssyncadd.s32 $0xFFFFE000  }
0xb5: {  	s13 =	simm.s32 $0x14400;
	s11 =	simm.s32 $0x2  }
0xb6: {  	[tilespmem:s13], [sflag:$0x9] =	stream.indirect.gather [hbm4b:s3+s15], $0x40, s12, s15, $0xb8;
	[tilespmem:$0x16400] =	vst v63  }
0xb7: {  	_ =	swait.ge [sflag:s11], $0x2000  }
0xb8: {  	[sflag:s11] =	ssyncset.done $0x0  }
0xb9: {  	s14 =	rddreg [dreg:$0xc];
	[sflag:s11] =	ssyncadd.s32 $0xFFFFE000  }
0xba: {  	[hbm4b:s14+s2] =	stream.linear.scatter [tilespmem:s16], [sflag:$0xA], $0x2000, $0x38;
	[tilespmem:$0x16400] =	vst v63  }
0xbb: {  	_ =	swait.ge [sflag:s1], $0x2000  }
0xbc: {  	[sflag:s1] =	ssyncset.done $0x0  }
0xbd: {  	s12 =	rddreg [dreg:$0xd];
	[sflag:s1] =	ssyncadd.s32 $0xFFFFE000  }
0xbe: {  	[hbm4b:s12+s2] =	stream.linear.scatter [tilespmem:s17], [sflag:$0xB], $0x2000, $0x38;
	[tilespmem:$0x16400] =	vst v63  }
0xbf: {  	_ =	swait.ge [sflag:s0], $0x2000  }
0xc0: {  	[sflag:s0] =	ssyncset.done $0x0  }
0xc1: {  	s14 =	rddreg [dreg:$0xe];
	[sflag:s0] =	ssyncadd.s32 $0xFFFFE000  }
0xc2: {  	[hbm4b:s14+s2] =	stream.linear.scatter [tilespmem:s19], [sflag:$0xC], $0x2000, $0x38;
	[tilespmem:$0x16400] =	vst v63  }
0xc3: {  	_ =	swait.ge [sflag:s18], $0x2000  }
0xc4: {  	[sflag:s18] =	ssyncset.done $0x0  }
0xc5: {  	s16 =	rddreg [dreg:$0xf];
	[sflag:s18] =	ssyncadd.s32 $0xFFFFE000  }
0xc6: {  	[hbm4b:s16+s2] =	stream.linear.scatter [tilespmem:s21], [sflag:$0xD], $0x2000, $0x38;
	[tilespmem:$0x16400] =	vst v63  }
0xc7: {  	_ =	swait.ge [sflag:s20], $0x2000  }
0xc8: {  	[sflag:s20] =	ssyncset.done $0x0  }
0xc9: {  	s17 =	rddreg [dreg:$0x10];
	[sflag:s20] =	ssyncadd.s32 $0xFFFFE000  }
0xca: {  	[hbm4b:s17+s2] =	stream.linear.scatter [tilespmem:s23], [sflag:$0xE], $0x2000, $0x38;
	[tilespmem:$0x16400] =	vst v63  }
0xcb: {  	_ =	swait.ge [sflag:s22], $0x2000  }
0xcc: {  	[sflag:s22] =	ssyncset.done $0x0  }
0xcd: {  	s19 =	rddreg [dreg:$0x11];
	[sflag:s22] =	ssyncadd.s32 $0xFFFFE000  }
0xce: {  	[hbm4b:s19+s2] =	stream.linear.scatter [tilespmem:s25], [sflag:$0xF], $0x2000, $0x38;
	[tilespmem:$0x16400] =	vst v63  }
0xcf: {  	_ =	swait.ge [sflag:s24], $0x2000  }
0xd0: {  	[sflag:s24] =	ssyncset.done $0x0  }
0xd1: {  	s21 =	rddreg [dreg:$0x12];
	[sflag:s24] =	ssyncadd.s32 $0xFFFFE000  }
0xd2: {  	[hbm4b:s21+s2] =	stream.linear.scatter [tilespmem:s28], [sflag:$0x10], $0x2000, $0x38;
	[tilespmem:$0x16400] =	vst v63  }
0xd3: {  	_ =	swait.ge [sflag:s26], $0x2000  }
0xd4: {  	[sflag:s26] =	ssyncset.done $0x0  }
0xd5: {  	s23 =	rddreg [dreg:$0x13];
	[sflag:s26] =	ssyncadd.s32 $0xFFFFE000  }
0xd6: {  	[hbm4b:s23+s2] =	stream.linear.scatter [tilespmem:s13], [sflag:$0x11], $0x2000, $0x38;
	[tilespmem:$0x16400] =	vst v63  }
0xd7: {  	_ =	swait.ge [sflag:s29], $0x2000  }
0xd8: {  	[sflag:s29] =	ssyncset.done $0x0  }
0xd9: {  	[sflag:s29] =	ssyncadd.s32 $0xFFFFE000  }
0xda: {  	_ =	swait.ge [sflag:s4], $0x2000  }
0xdb: {  	[sflag:s4] =	ssyncset.done $0x0  }
0xdc: {  	[sflag:s4] =	ssyncadd.s32 $0xFFFFE000  }
0xdd: {  	_ =	swait.ge [sflag:s5], $0x2000  }
0xde: {  	[sflag:s5] =	ssyncset.done $0x0  }
0xdf: {  	[sflag:s5] =	ssyncadd.s32 $0xFFFFE000  }
0xe0: {  	_ =	swait.ge [sflag:s6], $0x2000  }
0xe1: {  	[sflag:s6] =	ssyncset.done $0x0  }
0xe2: {  	[sflag:s6] =	ssyncadd.s32 $0xFFFFE000  }
0xe3: {  	_ =	swait.ge [sflag:s7], $0x2000  }
0xe4: {  	[sflag:s7] =	ssyncset.done $0x0  }
0xe5: {  	[sflag:s7] =	ssyncadd.s32 $0xFFFFE000  }
0xe6: {  	_ =	swait.ge [sflag:s8], $0x2000  }
0xe7: {  	[sflag:s8] =	ssyncset.done $0x0  }
0xe8: {  	[sflag:s8] =	ssyncadd.s32 $0xFFFFE000  }
0xe9: {  	_ =	swait.ge [sflag:s9], $0x2000  }
0xea: {  	[sflag:s9] =	ssyncset.done $0x0  }
0xeb: {  	[sflag:s9] =	ssyncadd.s32 $0xFFFFE000  }
0xec: {  	_ =	swait.ge [sflag:s10], $0x2000  }
0xed: {  	s25 =	rddreg [dreg:$0x15]  }
0xee: {  	s28 =	rddreg [dreg:$0x14];
	s12 =	sadd.s32 $0x1, s25  }
0xef: {  	p0 =	sne.s32 s12, s28  }
.Ltmp1:
0xf0: {  	_ = 	snop;
	(pc) =	sbr.rel @p0 .LBB2_1-.Ltmp1, $3  }
0xf1: {  	_ =	sdelay $0x1  }
0xf2: {  	[sflag:s10] =	ssyncset.done $0x0  }
0xf3: {  	[sflag:s10] =	ssyncadd.s32 $0xFFFFE000  }
0xf4: {  	_ =	sfence.sel $0x180000  }
0xf5: {  	[bflag:$0x0] =	sbarrier.arrive $0xFFFF  }
0xf6: {  	_ =	strace $0x90000047  }
0xf7: {  	s0 =	stileid.u32;
	[bflag:$0x2] =	sbarrier.arrive $0xFFFF  }
0xf8: {  	p0 =	sne.s32 s0, $0x0;
	s0 =	rddreg [dreg:$0x2]  }
0xf9: {  	s0 =	sadd.s32 @!p0 $0x100000, s0  }
0xfa: {  	[sflag:s0] =	ssyncadd.tile.s32 @!p0 $0x1;
	_ =	shalt  }
.Lfunc_end2:
_tile_overlayer_lowered:
.L_overlay_start_2:
0xfb: {  	(tag) =	ssettag $0x2  }
0xfc: {  	s0 =	rddreg [dreg:$0x0];
	s2 =	stileid.u32  }
0xfd: {  	s1 =	rddreg [dreg:$0x1];
	p0 =	sne.s32 s2, $0x0  }
0xfe: {  	s3 =	rddreg [dreg:$0x2];
	[bflag:$0x3] =	sbarrier.arrive $0xFFFF;
	s2 =	simm.s32 @!p0 $0x1C12  }
0xff: {  	[timem:s3], [sflag:s2] =	dma.local @!p0 [hbm:s0], s1  }
0x100: {  	s0 =	simm.s32 @!p0 $0x12  }
0x101: {  	_ =	swait.ge @!p0 [sflag:s0], s1  }
0x102: {  	s1 =	ssub.s32 @!p0 $0x0, s1;
	[sflag:s0] =	ssyncset.done @!p0 $0x0  }
0x103: {  	[sflag:s0] =	ssyncadd.s32 @!p0 s1  }
0x104: {  	[bflag:$0x3] =	sbarrier.arrive $0xFFFF  }
0x105: {  	_ =	shalt  }

// kernel: sparse-core-data-format-call.cloned.1.call-start
scs
called_computation_lowered:
.L_overlay_start_0:
0x0: {  	s2 =	sld [smem:$0x3FD9]  }
0x1: {  	s3 =	sld [smem:$0x3FFE];
	_ =	sdelay $0x1  }
0x2: {  	s1 =	srdreg.scid  }
0x3: {  	s0 =	sand.u32 $0x1, s1  }
0x4: {  	s18 =	sshll.u32 s0, $0xA;
	s2 =	sadd.s32 s3, s2  }
0x5: {  	s2 =	sadd.s32 s2, s18  }
0x6: {  	[smem:$0x3FC6] =	sst s2  }
0x7: {  	_ = 	snop  }
0x8: {  	s2 =	sld [smem:$0x3FD0];
	(tm) =	ssettm $0x1  }
0x9: {  	s19 =	sld [smem:$0x3FFB];
	_ =	sdelay $0x3  }
0xa: {  	_ =	strace s19  }
0xb: {  	s3 =	sld [smem:$0x3FFC];
	_ =	sdelay $0x3  }
0xc: {  	_ =	strace s3  }
0xd: {  	s3 =	sld [smem:$0x3FFD];
	_ =	sdelay $0x3  }
0xe: {  	_ =	strace s3  }
0xf: {  	_ =	strace $0x8FFFFFFF  }
0x10: {  	s20 =	sld [smem:$0x3FDB];
	_ =	sdelay $0x1  }
0x11: {  	s4 =	simm.s32 $_scs_section_size  }
0x12: {  	s5 =	simm.s32 $_size__tile_overlayer_lowered;
	s6 =	simm.s32 $_tile_overlayer_lowered  }
0x13: {  	s23 =	simm.s32 $0x1BFF;
	s22 =	sshll.u32 s6, $0x1;
	s3 =	sadd.s32 s4, s20  }
0x14: {  	s7 =	simm.s32 $0x0;
	s21 =	sshll.u32 s5, $0x1;
	s5 =	sadd.s32 s22, s3  }
0x15: {  	[timem:s7], [sflag:s23] =	dma.local [hbm:s5], s21  }
0x16: {  	_ =	swait.ge [sflag:s23], s21  }
0x17: {  	s4 =	ssub.s32 $0x0, s21;
	[sflag:s23] =	ssyncset.done $0x0  }
0x18: {  	[sflag:s23] =	ssyncadd.s32 s4;
	_ =	sdelay $0x1  }
0x19: {  	s24 =	simm.s32 $0x1B8B  }
0x1a: {  	_ =	swait.ge [sflag:s24], $0x1  }
0x1b: {  	[sflag:s24] =	ssyncset.done $0x0  }
0x1c: {  	s26 =	simm.s32 $0x1B8E;
	s25 =	sld [smem:$0x3FFE];
	[sflag:s24] =	ssyncadd.s32 $0xFFFFFFFF  }
0x1d: {  	s27 =	simm.s32 $execute0_lowered;
	[smem:$0x3FD2] =	sst s26  }
0x1e: {  	s5 =	sshll.u32 s27, $0x1;
	_ =	strace $0x80000049;
	[dreg:$0x1] =	wrdreg $0xFFFFFFFF  }
0x1f: {  	s28 =	simm.s32 $_size_execute0_lowered;
	s3 =	sadd.s32 s3, s5;
	[dreg:$0x0] =	wrdreg $0x0  }
0x20: {  	s5 =	sshll.u32 s28, $0x1;
	[dreg:$0x2] =	wrdreg s3  }
0x21: {  	[dreg:$0x3] =	wrdreg s5  }
0x22: {  	[dreg:$0x4] =	wrdreg $0xC0  }
0x23: {  	_ =	task [dreg:s7], $0x5FFFF  }
0x24: {  	[dreg:$0x1] =	wrdreg $0xFFFFFFFF  }
0x25: {  	[dreg:$0x0] =	wrdreg $0x60  }
0x26: {  	[dreg:$0x2] =	wrdreg s25  }
0x27: {  	[dreg:$0x3] =	wrdreg s2  }
0x28: {  	[dreg:$0x4] =	wrdreg $0x9  }
0x29: {  	_ =	task.clear_ibuf [dreg:s7], $0x5FFFF;
	_ =	strace $0x90000049  }
0x2a: {  	s29 =	simm.s32 $0x9;
	_ =	strace $0x8000004B  }
0x2b: {  	_ =	swait.ge [sflag:s29], $0x1  }
0x2c: {  	[sflag:s29] =	ssyncadd.s32 $0xFFFFFFFF  }
0x2d: {  	_ =	strace $0x9000004B  }
0x2e: {  	_ =	sfence  }
0x2f: {  	s30 =	sld [smem:$0x0];
	_ =	sdelay $0x2  }
0x30: {  	s31 =	sshll.u32 s1, $0xD;
	s1 =	sshrl.u32 s1, $0x2  }
0x31: {  	s3 =	sand.u32 $0x4000, s31;
	s1 =	sadd.s32 s1, s30  }
0x32: {  	s0 =	sor.u32 s3, s0;
	s1 =	sshll.u32 s1, $0x11  }
0x33: {  	s0 =	sor.u32 s1, s0  }
0x34: {  	s0 =	sadd.s32 $0x8F2B, s0  }
0x35: {  	[sflag:s0] =	ssyncadd.remote.s32 $0x1  }
0x36: {  	_ =	sfence.sel $0xFFFF  }
0x37: {  	[dreg:$0x0] =	wrdreg $0xFFFFFFFF;
	(pc) =	sbr.abs _section_cstart, $3  }
0x38: {  	[dreg:$0x1] =	wrdreg $0xFFFFFFFF  }
0x39: {  	_ =	task.clear_ibuf [dreg:s7], $0x2FFFF;
	_ =	strace $0x9FFFFFFF  }
0x3a: {  	(tm) =	ssettm $0x7FFFFFFF  }
0x3b: {  	_ =	shalt  }
tec
execute0_lowered:
.L_overlay_start_1:
0x0: {  	(tag) =	ssettag $0x1  }
0x1: {  	s0 =	srdreg.scid  }
0x2: {  	s1 =	sshll.u32 s0, $0x4  }
0x3: {  	s0 =	stileid.u32;
	s1 =	sand.u32 $0x10, s1  }
0x4: {  	s1 =	sor.u32 s0, s1  }
0x5: {  	s6 =	rddreg [dreg:$0x0];
	s4 =	simm.s32 $0x1;
	s2 =	sshll.u32 s1, $0x7  }
0x6: {  	s7 =	simm.s32 $0x2;
	s12 =	simm.s32 $0x0;
	s1 =	ssub.s32 $0x1000, s2  }
0x7: {  	s8 =	simm.s32 $0x8000;
	s13 =	simm.s32 $0x0;
	s3 =	sand.u32 $0xF80, s1  }
0x8: {  	s9 =	simm.s32 $0x0;
	s5 =	sshrl.u32 s1, $0xC;
	p0 =	sne.s32 s3, $0x0  }
.Ltmp0:
0x9: {  	s1 =	rddreg [dreg:$0x2];
	s4 =	simm.s32 @!p0 $0x0;
	(pc) =	sbr.rel .LBB1_1-.Ltmp0, $4  }
0xa: {  	s11 =	simm.s32 $0x0;
	s3 =	rddreg [dreg:$0x1];
	s5 =	sadd.s32 s4, s5  }
0xb: {  	_ =	strace $0x8000004A;
	s4 =	simm.s32 $0x1;
	s5 =	smul.u32 $0xC8, s5  }
0xc: {  	s6 =	sadd.s32 $0xA00, s6;
	s10 =	smov.u32 s2;
	[sflag:s4] =	ssyncpa.u1 $0x0  }
0xd: {  	p0 =	por $0x0, $0x0;
	[sflag:s7] =	ssyncpa.u1 $0x0;
	s7 =	sor.u32 $0x1, s5  }
.LBB1_4:
0xe: {  	s16 =	sshll.u32 s13, $0x3;
	s17 =	sand.u32 $0x78, s13  }
0xf: {  	s30 =	sand.u32 $0x7E00, s13;
	s12 =	sshll.u32 s12, $0xF;
	s16 =	sand.u32 $0xC00, s16  }
0x10: {  	[tilespmem:s15+$0x810 ss:$0x81] =	vst.msk $0xffff, v2;
	s31 =	sand.u32 $0x7, s13;
	s16 =	sor.u32 s17, s16;
	s17 =	sadd.s32 s3, s30  }
0x11: {  	[tilespmem:s15+$0x1020 ss:$0x81] =	vst.msk $0xffff, v0;
	s13 =	sshll.u32 s31, $0x12;
	s12 =	sadd.s32 s12, s17;
	s16 =	sshrl.u32 s16, $0x3  }
0x12: {  	[tilespmem:s15+$0x0 ss:$0x81] =	vst.msk $0xffff, v1;
	s13 =	sor.u32 $0x400, s13;
	s12 =	sadd.s32 s16, s12  }
0x13: {  	[hbm4b:s12+s13] =	stream.strided.scatter [tilespmem:s14], [sflag:$0x2], $0x2000, s8, s13, $0x20;
	[tilespmem:$0x8080] =	vst v63  }
.LBB1_5:
0x14: {  	s14 =	sadd.s32 $0x1, s9  }
0x15: {  	s12 =	sadd.s32 $0x1000, s10;
	s16 =	smov.u32 s10;
	p2 =	sgt.s32 s14, $0xC7  }
0x16: {  	s16 =	smov.u32 @p2 s12  }
0x17: {  	s14 =	simm.s32 @p2 $0x0;
	p2 =	sgt.s32 s16, $0xFFF  }
0x18: {  	s16 =	smov.u32 @p2 s2;
	p2 =	sne.s32 s11, s7  }
.Ltmp1:
0x19: {  	p1 =	slt.u32 s11, $0x2;
	(pc) =	sbr.rel @!p2 .LBB1_6-.Ltmp1, $4  }
0x1a: {  	s15 =	simm.s32 @!p1 $0x2  }
0x1b: {  	s13 =	smov.u32 s10;
	p0 =	por !p0, !p0;
	_ =	swait.ge @!p1 [sflag:s15], $0x2000  }
0x1c: {  	s12 =	smov.u32 s9;
	[sflag:s15] =	ssyncset.done @!p1 $0x0;
	s9 =	smov.u32 s14  }
0x1d: {  	s11 =	sadd.s32 $0x1, s11;
	[sflag:s15] =	ssyncadd.s32 @!p1 $0xFFFFE000;
	s10 =	smov.u32 s16  }
.LBB1_1:
0x1e: {  	p1 =	sge.u32 s11, s5  }
0x1f: {  	s14 =	sand.u32 @!p1 $0x1FFFFFF, s9  }
0x20: {  	s15 =	smulhi.u32 @!p1 $0x147AE15, s14;
	_ =	sdelay $0x1  }
0x21: {  	s15 =	smul.u32 @!p1 $0xC8, s15  }
0x22: {  	s16 =	sxor.u32 @!p1 $0xFFFFFFFF, s11;
	s17 =	smul.u32 @!p1 $0xC80, s10  }
0x23: {  	s31 =	sadd.s32 $0xFFFFFFFF, s11;
	s16 =	sshll.u32 @!p1 s16, $0xD;
	s14 =	ssub.s32 @!p1 s14, s15  }
0x24: {  	s15 =	sand.u32 @!p1 $0x2000, s16;
	s16 =	sadd.s32 @!p1 s6, s17;
	s14 =	sshll.u32 @!p1 s14, $0x4  }
0x25: {  	s17 =	simm.s32 @!p1 $0x6400;
	s14 =	sadd.s32 @!p1 s14, s16;
	s16 =	simm.s32 @!p1 $0x40  }
0x26: {  	[tilespmem:s15], [sflag:$0x1] =	stream.strided.gather @!p1 [hbm4b:s14+s16], $0x2000, s17, s16, $0x38;
	[tilespmem:$0x8080] =	vst v63  }
0x27: {  	p1 =	sge.u32 s31, s5  }
.Ltmp2:
0x28: {  	_ = 	snop;
	(pc) =	sbr.rel @p1 .LBB1_5-.Ltmp2, $1  }
0x29: {  	_ =	sdelay $0x3  }
0x2a: {  	s14 =	simm.s32 $0x1  }
0x2b: {  	_ =	swait.ge [sflag:s4], $0x2000;
	s14 =	simm.s32 @!p0 $0x0  }
0x2c: {  	[sflag:s4] =	ssyncset.done $0x0;
	s15 =	sshll.u32 s14, $0xD  }
0x2d: {  	[sflag:s4] =	ssyncadd.s32 $0xFFFFE000;
	s18 =	sor.u32 $0x20, s15  }
0x2e: {  	s14 =	smul.u32 $0x8100, s14;
	v3 =	vld [tilespmem:s18+$0x10]  }
0x2f: {  	s30 =	sand.u32 $0x1, s11;
	v2 =	vld [tilespmem:s18+$0xFFFFFFF0]  }
0x30: {  	s15 =	smul.u32 $0x8100, s30;
	s14 =	sshrl.u32 s14, $0x2;
	v0 =	vld [tilespmem:s18+$0x0]  }
0x31: {  	v1 =	vld [tilespmem:s18+$0xFFFFFFE0];
	s16 =	sor.u32 $0x4000, s14  }
0x32: {  	s31 =	sshrl.u32 s15, $0x2;
	s15 =	sadd.s32 $0x0, s16  }
0x33: {  	s17 =	simm.s32 $0x4;
	s18 =	sadd.s32 $0x40, s18;
	s14 =	sor.u32 $0x4000, s31;
	[tilespmem:s15+$0x1830 ss:$0x81] =	vst.msk $0xffff, v3  }
.LBB1_3:
0x34: {  	v3 =	vld [tilespmem:s18+$0x10];
	p1 =	sne.s32 s17, $0x1FC;
	[tilespmem:s15+$0x810 ss:$0x81] =	vst.msk $0xffff, v2;
	s19 =	smov.u32 s17;
	s17 =	sadd.s32 $0x4, s17  }
.Ltmp3:
0x35: {  	v2 =	vld [tilespmem:s18+$0xFFFFFFF0];
	[tilespmem:s15+$0x1020 ss:$0x81] =	vst.msk $0xffff, v0;
	(pc) =	sbr.rel @p1 .LBB1_3-.Ltmp3, $4  }
0x36: {  	v0 =	vld [tilespmem:s18+$0x0];
	[tilespmem:s15+$0x0 ss:$0x81] =	vst.msk $0xffff, v1  }
0x37: {  	s15 =	sshra.s32 s19, $0x2;
	v1 =	vld [tilespmem:s18+$0xFFFFFFE0]  }
0x38: {  	s15 =	sadd.s32 s15, s16  }
0x39: {  	s18 =	sadd.s32 $0x40, s18;
	[tilespmem:s15+$0x1830 ss:$0x81] =	vst.msk $0xffff, v3  }
.Ltmp4:
0x3a: {  	_ = 	snop;
	(pc) =	sbr.rel .LBB1_4-.Ltmp4, $1  }
0x3b: {  	_ =	sdelay $0x3  }
.LBB1_6:
0x3c: {  	_ =	sfence.sel $0x180000  }
0x3d: {  	s2 =	simm.s32 $0x1;
	[bflag:$0x0] =	sbarrier.arrive $0xFFFF  }
0x3e: {  	s31 =	simm.s32 $0x2;
	[sflag:s2] =	ssyncpa.u1 $0x1  }
0x3f: {  	[sflag:s31] =	ssyncpa.u1 $0x1  }
0x40: {  	p0 =	sne.s32 s0, $0x0;
	_ =	strace $0x9000004A  }
0x41: {  	s0 =	sadd.s32 @!p0 $0x100000, s1;
	[bflag:$0x2] =	sbarrier.arrive $0xFFFF  }
0x42: {  	[sflag:s0] =	ssyncadd.tile.s32 @!p0 $0x1;
	_ =	shalt  }
.Lfunc_end1:
_tile_overlayer_lowered:
.L_overlay_start_2:
0x43: {  	(tag) =	ssettag $0x2  }
0x44: {  	s0 =	rddreg [dreg:$0x0];
	s2 =	stileid.u32  }
0x45: {  	s1 =	rddreg [dreg:$0x1];
	p0 =	sne.s32 s2, $0x0  }
0x46: {  	s3 =	rddreg [dreg:$0x2];
	[bflag:$0x3] =	sbarrier.arrive $0xFFFF;
	s2 =	simm.s32 @!p0 $0x1C01  }
0x47: {  	[timem:s3], [sflag:s2] =	dma.local @!p0 [hbm:s0], s1  }
0x48: {  	s0 =	simm.s32 @!p0 $0x1  }
0x49: {  	_ =	swait.ge @!p0 [sflag:s0], s1  }
0x4a: {  	s1 =	ssub.s32 @!p0 $0x0, s1;
	[sflag:s0] =	ssyncset.done @!p0 $0x0  }
0x4b: {  	[sflag:s0] =	ssyncadd.s32 @!p0 s1  }
0x4c: {  	[bflag:$0x3] =	sbarrier.arrive $0xFFFF  }
0x4d: {  	_ =	shalt  }

</sc_bundles>
